<compile_context>
chip_gen: v7x
topology: tpu7x:2x2x1
jax: 0.10.2.dev20260603
libtpu: 0.0.44.dev20260713+nightly
codegen_flags: <defaults>
</compile_context>

<pallas_src>
import functools

import jax
import jax.numpy as jnp
from jax import lax
from jax.experimental import pallas as pl
from jax.experimental.pallas import tpu as pltpu
from jax.experimental.pallas import tpu_sc as plsc

NUM_GAUSSIANS = 1000000
D = 48
BATCH = 16384
LANES = 128

_info = plsc.get_sparse_core_info()
_NC, _NS = _info.num_cores, _info.num_subcores
_NW = _NC * _NS
_B_PER_W = BATCH // _NW
_NBUF = 16
_NGRP = _B_PER_W // _NBUF


@jax.jit
def _gather(indices, table_t):
    mesh = plsc.VectorSubcoreMesh(core_axis_name="c", subcore_axis_name="s")

    @functools.partial(
        pl.kernel,
        out_type=jax.ShapeDtypeStruct((D, BATCH), jnp.float32),
        mesh=mesh,
        scratch_types=[
            pltpu.VMEM((_B_PER_W,), jnp.int32),
            pltpu.VMEM((_NBUF, D, LANES), jnp.float32),
            pltpu.VMEM((D, _B_PER_W), jnp.float32),
            pltpu.SemaphoreType.DMA,
            pltpu.SemaphoreType.DMA,
            pltpu.SemaphoreType.DMA,
        ],
        compiler_params=pltpu.CompilerParams(needs_layout_passes=False),
    )
    def body(idx_hbm, table_hbm, out_hbm, idx_v, slab_v, rows_v,
             sem_a, sem_b, wsem):
        wid = lax.axis_index("s") * _NC + lax.axis_index("c")
        base = wid * _B_PER_W
        pltpu.sync_copy(idx_hbm.at[pl.ds(base, _B_PER_W)], idx_v)

        iota = lax.iota(jnp.int32, 16)
        half = _NBUF // 2

        def fire(gv, lo, slot0, sem):
            for b in range(half):
                g = gv[lo + b]
                off = pl.multiple_of((g >> 7) * LANES, LANES)
                pltpu.make_async_copy(
                    table_hbm.at[:, pl.ds(off, LANES)],
                    slab_v.at[slot0 + b],
                    sem,
                ).start()

        def drain(slot0, sem):
            pltpu.make_async_copy(
                table_hbm.at[:, pl.ds(0, half * LANES)],
                slab_v.at[pl.ds(slot0, half)],
                sem,
            ).wait()

        def extract(gv, ko, lo, slot0):
            lv_all = gv & (LANES - 1)
            for b in range(half):
                i = ko * _NBUF + lo + b
                bvec = jnp.full((16,), slot0 + b, jnp.int32)
                lvec = jnp.full((16,), lv_all[lo + b], jnp.int32)
                ivec = jnp.full((16,), i, jnp.int32)
                for k in range(D // 16):
                    rvec = iota + (16 * k)
                    vals = plsc.load_gather(slab_v, [bvec, rvec, lvec])
                    plsc.store_scatter(rows_v, [rvec, ivec], vals)

        gv0 = idx_v[pl.ds(0, _NBUF)]
        fire(gv0, 0, 0, sem_a)
        fire(gv0, half, half, sem_b)

        def group(ko, _):
            gv = idx_v[pl.ds(ko * _NBUF, _NBUF)]
            drain(0, sem_a)
            extract(gv, ko, 0, 0)

            @pl.when(ko < _NGRP - 1)
            def _():
                gvn = idx_v[pl.ds((ko + 1) * _NBUF, _NBUF)]
                fire(gvn, 0, 0, sem_a)

            drain(half, sem_b)
            extract(gv, ko, half, half)

            @pl.when(ko < _NGRP - 1)
            def _():
                gvn = idx_v[pl.ds((ko + 1) * _NBUF, _NBUF)]
                fire(gvn, half, half, sem_b)

            return ()

        lax.fori_loop(0, _NGRP, group, ())
        wcp = pltpu.make_async_copy(
            rows_v, out_hbm.at[:, pl.ds(base, _B_PER_W)], wsem
        )
        wcp.start()
        wcp.wait()

    return body(indices, table_t)


def kernel(indices, sh_coeffs):
    idx = jnp.asarray(indices, jnp.int32)
    table_t = jnp.transpose(sh_coeffs, (2, 1, 0)).reshape(D, NUM_GAUSSIANS)
    out = _gather(idx, table_t)
    return jnp.transpose(out.reshape(3, 16, BATCH), (2, 1, 0))

# --- scband reference (transcript-rebuilt; emitter-appended) ---
"""Pipeline reference for scband-independent-shbank-28226525070134 (READ-ONLY COPY).

The authoritative reference and input builder live on the scoring server;
editing this copy changes nothing except your own understanding.
"""

import jax, jax.numpy as jnp
import numpy as np

NUM_GAUSSIANS = 1000000
SH_DEGREE = 3
NUM_SH_COEFFS = (SH_DEGREE + 1) ** 2  # 16
INIT_SCALE = 0.1
BATCH = 16384


def setup_inputs(seed: int = 0) -> dict:
    key = jax.random.key(seed)
    k_idx, k_dc, k_rest = jax.random.split(key, 3)
    indices = jax.random.randint(k_idx, (BATCH,), 0, NUM_GAUSSIANS, dtype=jnp.int64 if jax.config.jax_enable_x64 else jnp.int32)
    # Build sh_coeffs parameter per the torch __init__
    dc = jax.random.normal(k_dc, (NUM_GAUSSIANS, 1, 3), dtype=jnp.float32) * INIT_SCALE + 0.5
    rest = jax.random.normal(k_rest, (NUM_GAUSSIANS, NUM_SH_COEFFS - 1, 3), dtype=jnp.float32) * (INIT_SCALE * 0.1)
    sh_coeffs = jnp.concatenate([dc, rest], axis=1)  # [G, 16, 3]
    return {"indices": indices, "sh_coeffs": sh_coeffs}


def reference(indices, sh_coeffs):
    # Faithful translation of get_sh_coeffs: self.sh_coeffs[indices]
    return jnp.take(sh_coeffs, indices, axis=0)  # [N, 16, 3]

if __name__ == "__main__":
    import jax
    _d = setup_inputs()
    print(jax.jit(kernel)(*tuple(_d.values())))

</pallas_src>

<mosaic_0001>
#map = affine_map<(d0, d1) -> (0)>
#map1 = affine_map<(d0, d1) -> (0, 0)>
module attributes {stable_mosaic.version = 14 : i64} {
  func.func @body(%arg0: i32, %arg1: i32, %arg2: memref<16384xi32, #tpu.memory_space<hbm>>, %arg3: memref<48x1000000xf32, #tpu.memory_space<hbm>>, %arg4: memref<48x16384xf32, #tpu.memory_space<hbm>>, %arg5: memref<512xi32, #tpu.memory_space<vmem>>, %arg6: memref<16x48x128xf32, #tpu.memory_space<vmem>>, %arg7: memref<48x512xf32, #tpu.memory_space<vmem>>, %arg8: memref<!tpu.dma_semaphore, #tpu.memory_space<semaphore_mem>>, %arg9: memref<!tpu.dma_semaphore, #tpu.memory_space<semaphore_mem>>, %arg10: memref<!tpu.dma_semaphore, #tpu.memory_space<semaphore_mem>>) attributes {dimension_semantics = [#tpu.dimension_semantics<core_parallel>, #tpu.dimension_semantics<subcore_parallel>], iteration_bounds = array<i64: 2, 16>, scalar_prefetch = 0 : i64, scratch_operands = 6 : i64, tpu.core_type = #tpu.core_type<sc_vector_subcore>, window_params = [{transform_indices = #map}, {transform_indices = #map1}, {transform_indices = #map1}]} {
    %mul3A = arith.constant 2 : i32
    %mul3A_0 = arith.muli %arg1, %mul3A : i32
    %add3A = arith.addi %mul3A_0, %arg0 : i32
    %mul3A_1 = arith.constant 512 : i32
    %mul3A_2 = arith.muli %add3A, %mul3A_1 : i32
    "tpu.region"() ({
      %run_scoped3A = tpu.sem_alloc : memref<!tpu.dma_semaphore, #tpu.memory_space<semaphore_mem>>
      %dma_start3A_330 = tpu.memref_slice %arg2[%mul3A_2] : memref<16384xi32, #tpu.memory_space<hbm>> -> memref<512xi32, #tpu.memory_space<hbm>>
      %dma_start3A_331 = tpu.memref_slice %arg2[%mul3A_2] : memref<16384xi32, #tpu.memory_space<hbm>> -> memref<512xi32, #tpu.memory_space<hbm>>
      tpu.enqueue_dma source(%dma_start3A_331 : memref<512xi32, #tpu.memory_space<hbm>>) target(%arg5 : memref<512xi32, #tpu.memory_space<vmem>>) target_semaphore(%run_scoped3A : memref<!tpu.dma_semaphore, #tpu.memory_space<semaphore_mem>>)
      %dma_wait3A_332 = tpu.memref_slice %arg2[%mul3A_2] : memref<16384xi32, #tpu.memory_space<hbm>> -> memref<512xi32, #tpu.memory_space<hbm>>
      %dma_wait3A_333 = tpu.memref_slice %arg2[%mul3A_2] : memref<16384xi32, #tpu.memory_space<hbm>> -> memref<512xi32, #tpu.memory_space<hbm>>
      tpu.wait_dma2 semaphore(%run_scoped3A : memref<!tpu.dma_semaphore, #tpu.memory_space<semaphore_mem>>) src(%dma_wait3A_333 : memref<512xi32, #tpu.memory_space<hbm>>) dst(%arg5 : memref<512xi32, #tpu.memory_space<vmem>>)
      tpu.yield
    }) : () -> ()
    %iota3A = tpu.iota {dimensions = array<i32: 0>} : vector<16xi32>
    %get3A = arith.constant 0 : index
    %get3A_3 = tpu.vector_load %arg5[%get3A] {strides = array<i32>} : memref<512xi32, #tpu.memory_space<vmem>>, vector<16xi32>,
    %slice3A = vector.extract_strided_slice %get3A_3 {offsets = [0], sizes = [1], strides = [1]} : vector<16xi32> to vector<1xi32>
    %squeeze3A = vector.extract %slice3A[0] : i32 from vector<1xi32>
    %shift_right_arithmetic3A = arith.constant 7 : i32
    %shift_right_arithmetic3A_4 = arith.shrsi %squeeze3A, %shift_right_arithmetic3A : i32
    %mul3A_5 = arith.constant 128 : i32
    %mul3A_6 = arith.muli %shift_right_arithmetic3A_4, %mul3A_5 : i32
    %multiple_of3A = tpu.assume_multiple %mul3A_6, 128 : i32
    %dma_start3A = arith.constant 0 : i32
    %dma_start3A_7 = arith.constant 0 : i32
    %dma_start3A_8 = arith.constant 0 : i32
    %dma_start3A_9 = tpu.memref_slice %arg6[%dma_start3A, %dma_start3A_7, %dma_start3A_8] : memref<16x48x128xf32, #tpu.memory_space<vmem>> -> memref<1x48x128xf32, #tpu.memory_space<vmem>>
    %dma_start3A_10 = tpu.memref_squeeze %dma_start3A_9 : memref<1x48x128xf32, #tpu.memory_space<vmem>> -> memref<48x128xf32, #tpu.memory_space<vmem>>
    %dma_start3A_11 = arith.constant 0 : i32
    %dma_start3A_12 = tpu.memref_slice %arg3[%dma_start3A_11, %multiple_of3A] : memref<48x1000000xf32, #tpu.memory_space<hbm>> -> memref<48x128xf32, #tpu.memory_space<hbm>>
    %dma_start3A_13 = arith.constant 0 : i32
    %dma_start3A_14 = arith.constant 0 : i32
    %dma_start3A_15 = tpu.memref_slice %arg6[%dma_start3A, %dma_start3A_13, %dma_start3A_14] : memref<16x48x128xf32, #tpu.memory_space<vmem>> -> memref<1x48x128xf32, #tpu.memory_space<vmem>>
    %dma_start3A_16 = tpu.memref_squeeze %dma_start3A_15 : memref<1x48x128xf32, #tpu.memory_space<vmem>> -> memref<48x128xf32, #tpu.memory_space<vmem>>
    %dma_start3A_17 = arith.constant 0 : i32
    %dma_start3A_18 = tpu.memref_slice %arg3[%dma_start3A_17, %multiple_of3A] : memref<48x1000000xf32, #tpu.memory_space<hbm>> -> memref<48x128xf32, #tpu.memory_space<hbm>>
    tpu.enqueue_dma source(%dma_start3A_18 : memref<48x128xf32, #tpu.memory_space<hbm>>) target(%dma_start3A_16 : memref<48x128xf32, #tpu.memory_space<vmem>>) target_semaphore(%arg8 : memref<!tpu.dma_semaphore, #tpu.memory_space<semaphore_mem>>)
    %slice3A_19 = vector.extract_strided_slice %get3A_3 {offsets = [1], sizes = [1], strides = [1]} : vector<16xi32> to vector<1xi32>
    %squeeze3A_20 = vector.extract %slice3A_19[0] : i32 from vector<1xi32>
    %shift_right_arithmetic3A_21 = arith.constant 7 : i32
    %shift_right_arithmetic3A_22 = arith.shrsi %squeeze3A_20, %shift_right_arithmetic3A_21 : i32
    %mul3A_23 = arith.constant 128 : i32
    %mul3A_24 = arith.muli %shift_right_arithmetic3A_22, %mul3A_23 : i32
    %multiple_of3A_25 = tpu.assume_multiple %mul3A_24, 128 : i32
    %dma_start3A_26 = arith.constant 1 : i32
    %dma_start3A_27 = arith.constant 0 : i32
    %dma_start3A_28 = arith.constant 0 : i32
    %dma_start3A_29 = tpu.memref_slice %arg6[%dma_start3A_26, %dma_start3A_27, %dma_start3A_28] : memref<16x48x128xf32, #tpu.memory_space<vmem>> -> memref<1x48x128xf32, #tpu.memory_space<vmem>>
    %dma_start3A_30 = tpu.memref_squeeze %dma_start3A_29 : memref<1x48x128xf32, #tpu.memory_space<vmem>> -> memref<48x128xf32, #tpu.memory_space<vmem>>
    %dma_start3A_31 = arith.constant 0 : i32
    %dma_start3A_32 = tpu.memref_slice %arg3[%dma_start3A_31, %multiple_of3A_25] : memref<48x1000000xf32, #tpu.memory_space<hbm>> -> memref<48x128xf32, #tpu.memory_space<hbm>>
    %dma_start3A_33 = arith.constant 0 : i32
    %dma_start3A_34 = arith.constant 0 : i32
    %dma_start3A_35 = tpu.memref_slice %arg6[%dma_start3A_26, %dma_start3A_33, %dma_start3A_34] : memref<16x48x128xf32, #tpu.memory_space<vmem>> -> memref<1x48x128xf32, #tpu.memory_space<vmem>>
    %dma_start3A_36 = tpu.memref_squeeze %dma_start3A_35 : memref<1x48x128xf32, #tpu.memory_space<vmem>> -> memref<48x128xf32, #tpu.memory_space<vmem>>
    %dma_start3A_37 = arith.constant 0 : i32
    %dma_start3A_38 = tpu.memref_slice %arg3[%dma_start3A_37, %multiple_of3A_25] : memref<48x1000000xf32, #tpu.memory_space<hbm>> -> memref<48x128xf32, #tpu.memory_space<hbm>>
    tpu.enqueue_dma source(%dma_start3A_38 : memref<48x128xf32, #tpu.memory_space<hbm>>) target(%dma_start3A_36 : memref<48x128xf32, #tpu.memory_space<vmem>>) target_semaphore(%arg8 : memref<!tpu.dma_semaphore, #tpu.memory_space<semaphore_mem>>)
    %slice3A_39 = vector.extract_strided_slice %get3A_3 {offsets = [2], sizes = [1], strides = [1]} : vector<16xi32> to vector<1xi32>
    %squeeze3A_40 = vector.extract %slice3A_39[0] : i32 from vector<1xi32>
    %shift_right_arithmetic3A_41 = arith.constant 7 : i32
    %shift_right_arithmetic3A_42 = arith.shrsi %squeeze3A_40, %shift_right_arithmetic3A_41 : i32
    %mul3A_43 = arith.constant 128 : i32
    %mul3A_44 = arith.muli %shift_right_arithmetic3A_42, %mul3A_43 : i32
    %multiple_of3A_45 = tpu.assume_multiple %mul3A_44, 128 : i32
    %dma_start3A_46 = arith.constant 2 : i32
    %dma_start3A_47 = arith.constant 0 : i32
    %dma_start3A_48 = arith.constant 0 : i32
    %dma_start3A_49 = tpu.memref_slice %arg6[%dma_start3A_46, %dma_start3A_47, %dma_start3A_48] : memref<16x48x128xf32, #tpu.memory_space<vmem>> -> memref<1x48x128xf32, #tpu.memory_space<vmem>>
    %dma_start3A_50 = tpu.memref_squeeze %dma_start3A_49 : memref<1x48x128xf32, #tpu.memory_space<vmem>> -> memref<48x128xf32, #tpu.memory_space<vmem>>
    %dma_start3A_51 = arith.constant 0 : i32
    %dma_start3A_52 = tpu.memref_slice %arg3[%dma_start3A_51, %multiple_of3A_45] : memref<48x1000000xf32, #tpu.memory_space<hbm>> -> memref<48x128xf32, #tpu.memory_space<hbm>>
    %dma_start3A_53 = arith.constant 0 : i32
    %dma_start3A_54 = arith.constant 0 : i32
    %dma_start3A_55 = tpu.memref_slice %arg6[%dma_start3A_46, %dma_start3A_53, %dma_start3A_54] : memref<16x48x128xf32, #tpu.memory_space<vmem>> -> memref<1x48x128xf32, #tpu.memory_space<vmem>>
    %dma_start3A_56 = tpu.memref_squeeze %dma_start3A_55 : memref<1x48x128xf32, #tpu.memory_space<vmem>> -> memref<48x128xf32, #tpu.memory_space<vmem>>
    %dma_start3A_57 = arith.constant 0 : i32
    %dma_start3A_58 = tpu.memref_slice %arg3[%dma_start3A_57, %multiple_of3A_45] : memref<48x1000000xf32, #tpu.memory_space<hbm>> -> memref<48x128xf32, #tpu.memory_space<hbm>>
    tpu.enqueue_dma source(%dma_start3A_58 : memref<48x128xf32, #tpu.memory_space<hbm>>) target(%dma_start3A_56 : memref<48x128xf32, #tpu.memory_space<vmem>>) target_semaphore(%arg8 : memref<!tpu.dma_semaphore, #tpu.memory_space<semaphore_mem>>)
    %slice3A_59 = vector.extract_strided_slice %get3A_3 {offsets = [3], sizes = [1], strides = [1]} : vector<16xi32> to vector<1xi32>
    %squeeze3A_60 = vector.extract %slice3A_59[0] : i32 from vector<1xi32>
    %shift_right_arithmetic3A_61 = arith.constant 7 : i32
    %shift_right_arithmetic3A_62 = arith.shrsi %squeeze3A_60, %shift_right_arithmetic3A_61 : i32
    %mul3A_63 = arith.constant 128 : i32
    %mul3A_64 = arith.muli %shift_right_arithmetic3A_62, %mul3A_63 : i32
    %multiple_of3A_65 = tpu.assume_multiple %mul3A_64, 128 : i32
    %dma_start3A_66 = arith.constant 3 : i32
    %dma_start3A_67 = arith.constant 0 : i32
    %dma_start3A_68 = arith.constant 0 : i32
    %dma_start3A_69 = tpu.memref_slice %arg6[%dma_start3A_66, %dma_start3A_67, %dma_start3A_68] : memref<16x48x128xf32, #tpu.memory_space<vmem>> -> memref<1x48x128xf32, #tpu.memory_space<vmem>>
    %dma_start3A_70 = tpu.memref_squeeze %dma_start3A_69 : memref<1x48x128xf32, #tpu.memory_space<vmem>> -> memref<48x128xf32, #tpu.memory_space<vmem>>
    %dma_start3A_71 = arith.constant 0 : i32
    %dma_start3A_72 = tpu.memref_slice %arg3[%dma_start3A_71, %multiple_of3A_65] : memref<48x1000000xf32, #tpu.memory_space<hbm>> -> memref<48x128xf32, #tpu.memory_space<hbm>>
    %dma_start3A_73 = arith.constant 0 : i32
    %dma_start3A_74 = arith.constant 0 : i32
    %dma_start3A_75 = tpu.memref_slice %arg6[%dma_start3A_66, %dma_start3A_73, %dma_start3A_74] : memref<16x48x128xf32, #tpu.memory_space<vmem>> -> memref<1x48x128xf32, #tpu.memory_space<vmem>>
    %dma_start3A_76 = tpu.memref_squeeze %dma_start3A_75 : memref<1x48x128xf32, #tpu.memory_space<vmem>> -> memref<48x128xf32, #tpu.memory_space<vmem>>
    %dma_start3A_77 = arith.constant 0 : i32
    %dma_start3A_78 = tpu.memref_slice %arg3[%dma_start3A_77, %multiple_of3A_65] : memref<48x1000000xf32, #tpu.memory_space<hbm>> -> memref<48x128xf32, #tpu.memory_space<hbm>>
    tpu.enqueue_dma source(%dma_start3A_78 : memref<48x128xf32, #tpu.memory_space<hbm>>) target(%dma_start3A_76 : memref<48x128xf32, #tpu.memory_space<vmem>>) target_semaphore(%arg8 : memref<!tpu.dma_semaphore, #tpu.memory_space<semaphore_mem>>)
    %slice3A_79 = vector.extract_strided_slice %get3A_3 {offsets = [4], sizes = [1], strides = [1]} : vector<16xi32> to vector<1xi32>
    %squeeze3A_80 = vector.extract %slice3A_79[0] : i32 from vector<1xi32>
    %shift_right_arithmetic3A_81 = arith.constant 7 : i32
    %shift_right_arithmetic3A_82 = arith.shrsi %squeeze3A_80, %shift_right_arithmetic3A_81 : i32
    %mul3A_83 = arith.constant 128 : i32
    %mul3A_84 = arith.muli %shift_right_arithmetic3A_82, %mul3A_83 : i32
    %multiple_of3A_85 = tpu.assume_multiple %mul3A_84, 128 : i32
    %dma_start3A_86 = arith.constant 4 : i32
    %dma_start3A_87 = arith.constant 0 : i32
    %dma_start3A_88 = arith.constant 0 : i32
    %dma_start3A_89 = tpu.memref_slice %arg6[%dma_start3A_86, %dma_start3A_87, %dma_start3A_88] : memref<16x48x128xf32, #tpu.memory_space<vmem>> -> memref<1x48x128xf32, #tpu.memory_space<vmem>>
    %dma_start3A_90 = tpu.memref_squeeze %dma_start3A_89 : memref<1x48x128xf32, #tpu.memory_space<vmem>> -> memref<48x128xf32, #tpu.memory_space<vmem>>
    %dma_start3A_91 = arith.constant 0 : i32
    %dma_start3A_92 = tpu.memref_slice %arg3[%dma_start3A_91, %multiple_of3A_85] : memref<48x1000000xf32, #tpu.memory_space<hbm>> -> memref<48x128xf32, #tpu.memory_space<hbm>>
    %dma_start3A_93 = arith.constant 0 : i32
    %dma_start3A_94 = arith.constant 0 : i32
    %dma_start3A_95 = tpu.memref_slice %arg6[%dma_start3A_86, %dma_start3A_93, %dma_start3A_94] : memref<16x48x128xf32, #tpu.memory_space<vmem>> -> memref<1x48x128xf32, #tpu.memory_space<vmem>>
    %dma_start3A_96 = tpu.memref_squeeze %dma_start3A_95 : memref<1x48x128xf32, #tpu.memory_space<vmem>> -> memref<48x128xf32, #tpu.memory_space<vmem>>
    %dma_start3A_97 = arith.constant 0 : i32
    %dma_start3A_98 = tpu.memref_slice %arg3[%dma_start3A_97, %multiple_of3A_85] : memref<48x1000000xf32, #tpu.memory_space<hbm>> -> memref<48x128xf32, #tpu.memory_space<hbm>>
    tpu.enqueue_dma source(%dma_start3A_98 : memref<48x128xf32, #tpu.memory_space<hbm>>) target(%dma_start3A_96 : memref<48x128xf32, #tpu.memory_space<vmem>>) target_semaphore(%arg8 : memref<!tpu.dma_semaphore, #tpu.memory_space<semaphore_mem>>)
    %slice3A_99 = vector.extract_strided_slice %get3A_3 {offsets = [5], sizes = [1], strides = [1]} : vector<16xi32> to vector<1xi32>
    %squeeze3A_100 = vector.extract %slice3A_99[0] : i32 from vector<1xi32>
    %shift_right_arithmetic3A_101 = arith.constant 7 : i32
    %shift_right_arithmetic3A_102 = arith.shrsi %squeeze3A_100, %shift_right_arithmetic3A_101 : i32
    %mul3A_103 = arith.constant 128 : i32
    %mul3A_104 = arith.muli %shift_right_arithmetic3A_102, %mul3A_103 : i32
    %multiple_of3A_105 = tpu.assume_multiple %mul3A_104, 128 : i32
    %dma_start3A_106 = arith.constant 5 : i32
    %dma_start3A_107 = arith.constant 0 : i32
    %dma_start3A_108 = arith.constant 0 : i32
    %dma_start3A_109 = tpu.memref_slice %arg6[%dma_start3A_106, %dma_start3A_107, %dma_start3A_108] : memref<16x48x128xf32, #tpu.memory_space<vmem>> -> memref<1x48x128xf32, #tpu.memory_space<vmem>>
    %dma_start3A_110 = tpu.memref_squeeze %dma_start3A_109 : memref<1x48x128xf32, #tpu.memory_space<vmem>> -> memref<48x128xf32, #tpu.memory_space<vmem>>
    %dma_start3A_111 = arith.constant 0 : i32
    %dma_start3A_112 = tpu.memref_slice %arg3[%dma_start3A_111, %multiple_of3A_105] : memref<48x1000000xf32, #tpu.memory_space<hbm>> -> memref<48x128xf32, #tpu.memory_space<hbm>>
    %dma_start3A_113 = arith.constant 0 : i32
    %dma_start3A_114 = arith.constant 0 : i32
    %dma_start3A_115 = tpu.memref_slice %arg6[%dma_start3A_106, %dma_start3A_113, %dma_start3A_114] : memref<16x48x128xf32, #tpu.memory_space<vmem>> -> memref<1x48x128xf32, #tpu.memory_space<vmem>>
    %dma_start3A_116 = tpu.memref_squeeze %dma_start3A_115 : memref<1x48x128xf32, #tpu.memory_space<vmem>> -> memref<48x128xf32, #tpu.memory_space<vmem>>
    %dma_start3A_117 = arith.constant 0 : i32
    %dma_start3A_118 = tpu.memref_slice %arg3[%dma_start3A_117, %multiple_of3A_105] : memref<48x1000000xf32, #tpu.memory_space<hbm>> -> memref<48x128xf32, #tpu.memory_space<hbm>>
    tpu.enqueue_dma source(%dma_start3A_118 : memref<48x128xf32, #tpu.memory_space<hbm>>) target(%dma_start3A_116 : memref<48x128xf32, #tpu.memory_space<vmem>>) target_semaphore(%arg8 : memref<!tpu.dma_semaphore, #tpu.memory_space<semaphore_mem>>)
    %slice3A_119 = vector.extract_strided_slice %get3A_3 {offsets = [6], sizes = [1], strides = [1]} : vector<16xi32> to vector<1xi32>
    %squeeze3A_120 = vector.extract %slice3A_119[0] : i32 from vector<1xi32>
    %shift_right_arithmetic3A_121 = arith.constant 7 : i32
    %shift_right_arithmetic3A_122 = arith.shrsi %squeeze3A_120, %shift_right_arithmetic3A_121 : i32
    %mul3A_123 = arith.constant 128 : i32
    %mul3A_124 = arith.muli %shift_right_arithmetic3A_122, %mul3A_123 : i32
    %multiple_of3A_125 = tpu.assume_multiple %mul3A_124, 128 : i32
    %dma_start3A_126 = arith.constant 6 : i32
    %dma_start3A_127 = arith.constant 0 : i32
    %dma_start3A_128 = arith.constant 0 : i32
    %dma_start3A_129 = tpu.memref_slice %arg6[%dma_start3A_126, %dma_start3A_127, %dma_start3A_128] : memref<16x48x128xf32, #tpu.memory_space<vmem>> -> memref<1x48x128xf32, #tpu.memory_space<vmem>>
    %dma_start3A_130 = tpu.memref_squeeze %dma_start3A_129 : memref<1x48x128xf32, #tpu.memory_space<vmem>> -> memref<48x128xf32, #tpu.memory_space<vmem>>
    %dma_start3A_131 = arith.constant 0 : i32
    %dma_start3A_132 = tpu.memref_slice %arg3[%dma_start3A_131, %multiple_of3A_125] : memref<48x1000000xf32, #tpu.memory_space<hbm>> -> memref<48x128xf32, #tpu.memory_space<hbm>>
    %dma_start3A_133 = arith.constant 0 : i32
    %dma_start3A_134 = arith.constant 0 : i32
    %dma_start3A_135 = tpu.memref_slice %arg6[%dma_start3A_126, %dma_start3A_133, %dma_start3A_134] : memref<16x48x128xf32, #tpu.memory_space<vmem>> -> memref<1x48x128xf32, #tpu.memory_space<vmem>>
    %dma_start3A_136 = tpu.memref_squeeze %dma_start3A_135 : memref<1x48x128xf32, #tpu.memory_space<vmem>> -> memref<48x128xf32, #tpu.memory_space<vmem>>
    %dma_start3A_137 = arith.constant 0 : i32
    %dma_start3A_138 = tpu.memref_slice %arg3[%dma_start3A_137, %multiple_of3A_125] : memref<48x1000000xf32, #tpu.memory_space<hbm>> -> memref<48x128xf32, #tpu.memory_space<hbm>>
    tpu.enqueue_dma source(%dma_start3A_138 : memref<48x128xf32, #tpu.memory_space<hbm>>) target(%dma_start3A_136 : memref<48x128xf32, #tpu.memory_space<vmem>>) target_semaphore(%arg8 : memref<!tpu.dma_semaphore, #tpu.memory_space<semaphore_mem>>)
    %slice3A_139 = vector.extract_strided_slice %get3A_3 {offsets = [7], sizes = [1], strides = [1]} : vector<16xi32> to vector<1xi32>
    %squeeze3A_140 = vector.extract %slice3A_139[0] : i32 from vector<1xi32>
    %shift_right_arithmetic3A_141 = arith.constant 7 : i32
    %shift_right_arithmetic3A_142 = arith.shrsi %squeeze3A_140, %shift_right_arithmetic3A_141 : i32
    %mul3A_143 = arith.constant 128 : i32
    %mul3A_144 = arith.muli %shift_right_arithmetic3A_142, %mul3A_143 : i32
    %multiple_of3A_145 = tpu.assume_multiple %mul3A_144, 128 : i32
    %dma_start3A_146 = arith.constant 7 : i32
    %dma_start3A_147 = arith.constant 0 : i32
    %dma_start3A_148 = arith.constant 0 : i32
    %dma_start3A_149 = tpu.memref_slice %arg6[%dma_start3A_146, %dma_start3A_147, %dma_start3A_148] : memref<16x48x128xf32, #tpu.memory_space<vmem>> -> memref<1x48x128xf32, #tpu.memory_space<vmem>>
    %dma_start3A_150 = tpu.memref_squeeze %dma_start3A_149 : memref<1x48x128xf32, #tpu.memory_space<vmem>> -> memref<48x128xf32, #tpu.memory_space<vmem>>
    %dma_start3A_151 = arith.constant 0 : i32
    %dma_start3A_152 = tpu.memref_slice %arg3[%dma_start3A_151, %multiple_of3A_145] : memref<48x1000000xf32, #tpu.memory_space<hbm>> -> memref<48x128xf32, #tpu.memory_space<hbm>>
    %dma_start3A_153 = arith.constant 0 : i32
    %dma_start3A_154 = arith.constant 0 : i32
    %dma_start3A_155 = tpu.memref_slice %arg6[%dma_start3A_146, %dma_start3A_153, %dma_start3A_154] : memref<16x48x128xf32, #tpu.memory_space<vmem>> -> memref<1x48x128xf32, #tpu.memory_space<vmem>>
    %dma_start3A_156 = tpu.memref_squeeze %dma_start3A_155 : memref<1x48x128xf32, #tpu.memory_space<vmem>> -> memref<48x128xf32, #tpu.memory_space<vmem>>
    %dma_start3A_157 = arith.constant 0 : i32
    %dma_start3A_158 = tpu.memref_slice %arg3[%dma_start3A_157, %multiple_of3A_145] : memref<48x1000000xf32, #tpu.memory_space<hbm>> -> memref<48x128xf32, #tpu.memory_space<hbm>>
    tpu.enqueue_dma source(%dma_start3A_158 : memref<48x128xf32, #tpu.memory_space<hbm>>) target(%dma_start3A_156 : memref<48x128xf32, #tpu.memory_space<vmem>>) target_semaphore(%arg8 : memref<!tpu.dma_semaphore, #tpu.memory_space<semaphore_mem>>)
    %slice3A_159 = vector.extract_strided_slice %get3A_3 {offsets = [8], sizes = [1], strides = [1]} : vector<16xi32> to vector<1xi32>
    %squeeze3A_160 = vector.extract %slice3A_159[0] : i32 from vector<1xi32>
    %shift_right_arithmetic3A_161 = arith.constant 7 : i32
    %shift_right_arithmetic3A_162 = arith.shrsi %squeeze3A_160, %shift_right_arithmetic3A_161 : i32
    %mul3A_163 = arith.constant 128 : i32
    %mul3A_164 = arith.muli %shift_right_arithmetic3A_162, %mul3A_163 : i32
    %multiple_of3A_165 = tpu.assume_multiple %mul3A_164, 128 : i32
    %dma_start3A_166 = arith.constant 8 : i32
    %dma_start3A_167 = arith.constant 0 : i32
    %dma_start3A_168 = arith.constant 0 : i32
    %dma_start3A_169 = tpu.memref_slice %arg6[%dma_start3A_166, %dma_start3A_167, %dma_start3A_168] : memref<16x48x128xf32, #tpu.memory_space<vmem>> -> memref<1x48x128xf32, #tpu.memory_space<vmem>>
    %dma_start3A_170 = tpu.memref_squeeze %dma_start3A_169 : memref<1x48x128xf32, #tpu.memory_space<vmem>> -> memref<48x128xf32, #tpu.memory_space<vmem>>
    %dma_start3A_171 = arith.constant 0 : i32
    %dma_start3A_172 = tpu.memref_slice %arg3[%dma_start3A_171, %multiple_of3A_165] : memref<48x1000000xf32, #tpu.memory_space<hbm>> -> memref<48x128xf32, #tpu.memory_space<hbm>>
    %dma_start3A_173 = arith.constant 0 : i32
    %dma_start3A_174 = arith.constant 0 : i32
    %dma_start3A_175 = tpu.memref_slice %arg6[%dma_start3A_166, %dma_start3A_173, %dma_start3A_174] : memref<16x48x128xf32, #tpu.memory_space<vmem>> -> memref<1x48x128xf32, #tpu.memory_space<vmem>>
    %dma_start3A_176 = tpu.memref_squeeze %dma_start3A_175 : memref<1x48x128xf32, #tpu.memory_space<vmem>> -> memref<48x128xf32, #tpu.memory_space<vmem>>
    %dma_start3A_177 = arith.constant 0 : i32
    %dma_start3A_178 = tpu.memref_slice %arg3[%dma_start3A_177, %multiple_of3A_165] : memref<48x1000000xf32, #tpu.memory_space<hbm>> -> memref<48x128xf32, #tpu.memory_space<hbm>>
    tpu.enqueue_dma source(%dma_start3A_178 : memref<48x128xf32, #tpu.memory_space<hbm>>) target(%dma_start3A_176 : memref<48x128xf32, #tpu.memory_space<vmem>>) target_semaphore(%arg9 : memref<!tpu.dma_semaphore, #tpu.memory_space<semaphore_mem>>)
    %slice3A_179 = vector.extract_strided_slice %get3A_3 {offsets = [9], sizes = [1], strides = [1]} : vector<16xi32> to vector<1xi32>
    %squeeze3A_180 = vector.extract %slice3A_179[0] : i32 from vector<1xi32>
    %shift_right_arithmetic3A_181 = arith.constant 7 : i32
    %shift_right_arithmetic3A_182 = arith.shrsi %squeeze3A_180, %shift_right_arithmetic3A_181 : i32
    %mul3A_183 = arith.constant 128 : i32
    %mul3A_184 = arith.muli %shift_right_arithmetic3A_182, %mul3A_183 : i32
    %multiple_of3A_185 = tpu.assume_multiple %mul3A_184, 128 : i32
    %dma_start3A_186 = arith.constant 9 : i32
    %dma_start3A_187 = arith.constant 0 : i32
    %dma_start3A_188 = arith.constant 0 : i32
    %dma_start3A_189 = tpu.memref_slice %arg6[%dma_start3A_186, %dma_start3A_187, %dma_start3A_188] : memref<16x48x128xf32, #tpu.memory_space<vmem>> -> memref<1x48x128xf32, #tpu.memory_space<vmem>>
    %dma_start3A_190 = tpu.memref_squeeze %dma_start3A_189 : memref<1x48x128xf32, #tpu.memory_space<vmem>> -> memref<48x128xf32, #tpu.memory_space<vmem>>
    %dma_start3A_191 = arith.constant 0 : i32
    %dma_start3A_192 = tpu.memref_slice %arg3[%dma_start3A_191, %multiple_of3A_185] : memref<48x1000000xf32, #tpu.memory_space<hbm>> -> memref<48x128xf32, #tpu.memory_space<hbm>>
    %dma_start3A_193 = arith.constant 0 : i32
    %dma_start3A_194 = arith.constant 0 : i32
    %dma_start3A_195 = tpu.memref_slice %arg6[%dma_start3A_186, %dma_start3A_193, %dma_start3A_194] : memref<16x48x128xf32, #tpu.memory_space<vmem>> -> memref<1x48x128xf32, #tpu.memory_space<vmem>>
    %dma_start3A_196 = tpu.memref_squeeze %dma_start3A_195 : memref<1x48x128xf32, #tpu.memory_space<vmem>> -> memref<48x128xf32, #tpu.memory_space<vmem>>
    %dma_start3A_197 = arith.constant 0 : i32
    %dma_start3A_198 = tpu.memref_slice %arg3[%dma_start3A_197, %multiple_of3A_185] : memref<48x1000000xf32, #tpu.memory_space<hbm>> -> memref<48x128xf32, #tpu.memory_space<hbm>>
    tpu.enqueue_dma source(%dma_start3A_198 : memref<48x128xf32, #tpu.memory_space<hbm>>) target(%dma_start3A_196 : memref<48x128xf32, #tpu.memory_space<vmem>>) target_semaphore(%arg9 : memref<!tpu.dma_semaphore, #tpu.memory_space<semaphore_mem>>)
    %slice3A_199 = vector.extract_strided_slice %get3A_3 {offsets = [10], sizes = [1], strides = [1]} : vector<16xi32> to vector<1xi32>
    %squeeze3A_200 = vector.extract %slice3A_199[0] : i32 from vector<1xi32>
    %shift_right_arithmetic3A_201 = arith.constant 7 : i32
    %shift_right_arithmetic3A_202 = arith.shrsi %squeeze3A_200, %shift_right_arithmetic3A_201 : i32
    %mul3A_203 = arith.constant 128 : i32
    %mul3A_204 = arith.muli %shift_right_arithmetic3A_202, %mul3A_203 : i32
    %multiple_of3A_205 = tpu.assume_multiple %mul3A_204, 128 : i32
    %dma_start3A_206 = arith.constant 10 : i32
    %dma_start3A_207 = arith.constant 0 : i32
    %dma_start3A_208 = arith.constant 0 : i32
    %dma_start3A_209 = tpu.memref_slice %arg6[%dma_start3A_206, %dma_start3A_207, %dma_start3A_208] : memref<16x48x128xf32, #tpu.memory_space<vmem>> -> memref<1x48x128xf32, #tpu.memory_space<vmem>>
    %dma_start3A_210 = tpu.memref_squeeze %dma_start3A_209 : memref<1x48x128xf32, #tpu.memory_space<vmem>> -> memref<48x128xf32, #tpu.memory_space<vmem>>
    %dma_start3A_211 = arith.constant 0 : i32
    %dma_start3A_212 = tpu.memref_slice %arg3[%dma_start3A_211, %multiple_of3A_205] : memref<48x1000000xf32, #tpu.memory_space<hbm>> -> memref<48x128xf32, #tpu.memory_space<hbm>>
    %dma_start3A_213 = arith.constant 0 : i32
    %dma_start3A_214 = arith.constant 0 : i32
    %dma_start3A_215 = tpu.memref_slice %arg6[%dma_start3A_206, %dma_start3A_213, %dma_start3A_214] : memref<16x48x128xf32, #tpu.memory_space<vmem>> -> memref<1x48x128xf32, #tpu.memory_space<vmem>>
    %dma_start3A_216 = tpu.memref_squeeze %dma_start3A_215 : memref<1x48x128xf32, #tpu.memory_space<vmem>> -> memref<48x128xf32, #tpu.memory_space<vmem>>
    %dma_start3A_217 = arith.constant 0 : i32
    %dma_start3A_218 = tpu.memref_slice %arg3[%dma_start3A_217, %multiple_of3A_205] : memref<48x1000000xf32, #tpu.memory_space<hbm>> -> memref<48x128xf32, #tpu.memory_space<hbm>>
    tpu.enqueue_dma source(%dma_start3A_218 : memref<48x128xf32, #tpu.memory_space<hbm>>) target(%dma_start3A_216 : memref<48x128xf32, #tpu.memory_space<vmem>>) target_semaphore(%arg9 : memref<!tpu.dma_semaphore, #tpu.memory_space<semaphore_mem>>)
    %slice3A_219 = vector.extract_strided_slice %get3A_3 {offsets = [11], sizes = [1], strides = [1]} : vector<16xi32> to vector<1xi32>
    %squeeze3A_220 = vector.extract %slice3A_219[0] : i32 from vector<1xi32>
    %shift_right_arithmetic3A_221 = arith.constant 7 : i32
    %shift_right_arithmetic3A_222 = arith.shrsi %squeeze3A_220, %shift_right_arithmetic3A_221 : i32
    %mul3A_223 = arith.constant 128 : i32
    %mul3A_224 = arith.muli %shift_right_arithmetic3A_222, %mul3A_223 : i32
    %multiple_of3A_225 = tpu.assume_multiple %mul3A_224, 128 : i32
    %dma_start3A_226 = arith.constant 11 : i32
    %dma_start3A_227 = arith.constant 0 : i32
    %dma_start3A_228 = arith.constant 0 : i32
    %dma_start3A_229 = tpu.memref_slice %arg6[%dma_start3A_226, %dma_start3A_227, %dma_start3A_228] : memref<16x48x128xf32, #tpu.memory_space<vmem>> -> memref<1x48x128xf32, #tpu.memory_space<vmem>>
    %dma_start3A_230 = tpu.memref_squeeze %dma_start3A_229 : memref<1x48x128xf32, #tpu.memory_space<vmem>> -> memref<48x128xf32, #tpu.memory_space<vmem>>
    %dma_start3A_231 = arith.constant 0 : i32
    %dma_start3A_232 = tpu.memref_slice %arg3[%dma_start3A_231, %multiple_of3A_225] : memref<48x1000000xf32, #tpu.memory_space<hbm>> -> memref<48x128xf32, #tpu.memory_space<hbm>>
    %dma_start3A_233 = arith.constant 0 : i32
    %dma_start3A_234 = arith.constant 0 : i32
    %dma_start3A_235 = tpu.memref_slice %arg6[%dma_start3A_226, %dma_start3A_233, %dma_start3A_234] : memref<16x48x128xf32, #tpu.memory_space<vmem>> -> memref<1x48x128xf32, #tpu.memory_space<vmem>>
    %dma_start3A_236 = tpu.memref_squeeze %dma_start3A_235 : memref<1x48x128xf32, #tpu.memory_space<vmem>> -> memref<48x128xf32, #tpu.memory_space<vmem>>
    %dma_start3A_237 = arith.constant 0 : i32
    %dma_start3A_238 = tpu.memref_slice %arg3[%dma_start3A_237, %multiple_of3A_225] : memref<48x1000000xf32, #tpu.memory_space<hbm>> -> memref<48x128xf32, #tpu.memory_space<hbm>>
    tpu.enqueue_dma source(%dma_start3A_238 : memref<48x128xf32, #tpu.memory_space<hbm>>) target(%dma_start3A_236 : memref<48x128xf32, #tpu.memory_space<vmem>>) target_semaphore(%arg9 : memref<!tpu.dma_semaphore, #tpu.memory_space<semaphore_mem>>)
    %slice3A_239 = vector.extract_strided_slice %get3A_3 {offsets = [12], sizes = [1], strides = [1]} : vector<16xi32> to vector<1xi32>
    %squeeze3A_240 = vector.extract %slice3A_239[0] : i32 from vector<1xi32>
    %shift_right_arithmetic3A_241 = arith.constant 7 : i32
    %shift_right_arithmetic3A_242 = arith.shrsi %squeeze3A_240, %shift_right_arithmetic3A_241 : i32
    %mul3A_243 = arith.constant 128 : i32
    %mul3A_244 = arith.muli %shift_right_arithmetic3A_242, %mul3A_243 : i32
    %multiple_of3A_245 = tpu.assume_multiple %mul3A_244, 128 : i32
    %dma_start3A_246 = arith.constant 12 : i32
    %dma_start3A_247 = arith.constant 0 : i32
    %dma_start3A_248 = arith.constant 0 : i32
    %dma_start3A_249 = tpu.memref_slice %arg6[%dma_start3A_246, %dma_start3A_247, %dma_start3A_248] : memref<16x48x128xf32, #tpu.memory_space<vmem>> -> memref<1x48x128xf32, #tpu.memory_space<vmem>>
    %dma_start3A_250 = tpu.memref_squeeze %dma_start3A_249 : memref<1x48x128xf32, #tpu.memory_space<vmem>> -> memref<48x128xf32, #tpu.memory_space<vmem>>
    %dma_start3A_251 = arith.constant 0 : i32
    %dma_start3A_252 = tpu.memref_slice %arg3[%dma_start3A_251, %multiple_of3A_245] : memref<48x1000000xf32, #tpu.memory_space<hbm>> -> memref<48x128xf32, #tpu.memory_space<hbm>>
    %dma_start3A_253 = arith.constant 0 : i32
    %dma_start3A_254 = arith.constant 0 : i32
    %dma_start3A_255 = tpu.memref_slice %arg6[%dma_start3A_246, %dma_start3A_253, %dma_start3A_254] : memref<16x48x128xf32, #tpu.memory_space<vmem>> -> memref<1x48x128xf32, #tpu.memory_space<vmem>>
    %dma_start3A_256 = tpu.memref_squeeze %dma_start3A_255 : memref<1x48x128xf32, #tpu.memory_space<vmem>> -> memref<48x128xf32, #tpu.memory_space<vmem>>
    %dma_start3A_257 = arith.constant 0 : i32
    %dma_start3A_258 = tpu.memref_slice %arg3[%dma_start3A_257, %multiple_of3A_245] : memref<48x1000000xf32, #tpu.memory_space<hbm>> -> memref<48x128xf32, #tpu.memory_space<hbm>>
    tpu.enqueue_dma source(%dma_start3A_258 : memref<48x128xf32, #tpu.memory_space<hbm>>) target(%dma_start3A_256 : memref<48x128xf32, #tpu.memory_space<vmem>>) target_semaphore(%arg9 : memref<!tpu.dma_semaphore, #tpu.memory_space<semaphore_mem>>)
    %slice3A_259 = vector.extract_strided_slice %get3A_3 {offsets = [13], sizes = [1], strides = [1]} : vector<16xi32> to vector<1xi32>
    %squeeze3A_260 = vector.extract %slice3A_259[0] : i32 from vector<1xi32>
    %shift_right_arithmetic3A_261 = arith.constant 7 : i32
    %shift_right_arithmetic3A_262 = arith.shrsi %squeeze3A_260, %shift_right_arithmetic3A_261 : i32
    %mul3A_263 = arith.constant 128 : i32
    %mul3A_264 = arith.muli %shift_right_arithmetic3A_262, %mul3A_263 : i32
    %multiple_of3A_265 = tpu.assume_multiple %mul3A_264, 128 : i32
    %dma_start3A_266 = arith.constant 13 : i32
    %dma_start3A_267 = arith.constant 0 : i32
    %dma_start3A_268 = arith.constant 0 : i32
    %dma_start3A_269 = tpu.memref_slice %arg6[%dma_start3A_266, %dma_start3A_267, %dma_start3A_268] : memref<16x48x128xf32, #tpu.memory_space<vmem>> -> memref<1x48x128xf32, #tpu.memory_space<vmem>>
    %dma_start3A_270 = tpu.memref_squeeze %dma_start3A_269 : memref<1x48x128xf32, #tpu.memory_space<vmem>> -> memref<48x128xf32, #tpu.memory_space<vmem>>
    %dma_start3A_271 = arith.constant 0 : i32
    %dma_start3A_272 = tpu.memref_slice %arg3[%dma_start3A_271, %multiple_of3A_265] : memref<48x1000000xf32, #tpu.memory_space<hbm>> -> memref<48x128xf32, #tpu.memory_space<hbm>>
    %dma_start3A_273 = arith.constant 0 : i32
    %dma_start3A_274 = arith.constant 0 : i32
    %dma_start3A_275 = tpu.memref_slice %arg6[%dma_start3A_266, %dma_start3A_273, %dma_start3A_274] : memref<16x48x128xf32, #tpu.memory_space<vmem>> -> memref<1x48x128xf32, #tpu.memory_space<vmem>>
    %dma_start3A_276 = tpu.memref_squeeze %dma_start3A_275 : memref<1x48x128xf32, #tpu.memory_space<vmem>> -> memref<48x128xf32, #tpu.memory_space<vmem>>
    %dma_start3A_277 = arith.constant 0 : i32
    %dma_start3A_278 = tpu.memref_slice %arg3[%dma_start3A_277, %multiple_of3A_265] : memref<48x1000000xf32, #tpu.memory_space<hbm>> -> memref<48x128xf32, #tpu.memory_space<hbm>>
    tpu.enqueue_dma source(%dma_start3A_278 : memref<48x128xf32, #tpu.memory_space<hbm>>) target(%dma_start3A_276 : memref<48x128xf32, #tpu.memory_space<vmem>>) target_semaphore(%arg9 : memref<!tpu.dma_semaphore, #tpu.memory_space<semaphore_mem>>)
    %slice3A_279 = vector.extract_strided_slice %get3A_3 {offsets = [14], sizes = [1], strides = [1]} : vector<16xi32> to vector<1xi32>
    %squeeze3A_280 = vector.extract %slice3A_279[0] : i32 from vector<1xi32>
    %shift_right_arithmetic3A_281 = arith.constant 7 : i32
    %shift_right_arithmetic3A_282 = arith.shrsi %squeeze3A_280, %shift_right_arithmetic3A_281 : i32
    %mul3A_283 = arith.constant 128 : i32
    %mul3A_284 = arith.muli %shift_right_arithmetic3A_282, %mul3A_283 : i32
    %multiple_of3A_285 = tpu.assume_multiple %mul3A_284, 128 : i32
    %dma_start3A_286 = arith.constant 14 : i32
    %dma_start3A_287 = arith.constant 0 : i32
    %dma_start3A_288 = arith.constant 0 : i32
    %dma_start3A_289 = tpu.memref_slice %arg6[%dma_start3A_286, %dma_start3A_287, %dma_start3A_288] : memref<16x48x128xf32, #tpu.memory_space<vmem>> -> memref<1x48x128xf32, #tpu.memory_space<vmem>>
    %dma_start3A_290 = tpu.memref_squeeze %dma_start3A_289 : memref<1x48x128xf32, #tpu.memory_space<vmem>> -> memref<48x128xf32, #tpu.memory_space<vmem>>
    %dma_start3A_291 = arith.constant 0 : i32
    %dma_start3A_292 = tpu.memref_slice %arg3[%dma_start3A_291, %multiple_of3A_285] : memref<48x1000000xf32, #tpu.memory_space<hbm>> -> memref<48x128xf32, #tpu.memory_space<hbm>>
    %dma_start3A_293 = arith.constant 0 : i32
    %dma_start3A_294 = arith.constant 0 : i32
    %dma_start3A_295 = tpu.memref_slice %arg6[%dma_start3A_286, %dma_start3A_293, %dma_start3A_294] : memref<16x48x128xf32, #tpu.memory_space<vmem>> -> memref<1x48x128xf32, #tpu.memory_space<vmem>>
    %dma_start3A_296 = tpu.memref_squeeze %dma_start3A_295 : memref<1x48x128xf32, #tpu.memory_space<vmem>> -> memref<48x128xf32, #tpu.memory_space<vmem>>
    %dma_start3A_297 = arith.constant 0 : i32
    %dma_start3A_298 = tpu.memref_slice %arg3[%dma_start3A_297, %multiple_of3A_285] : memref<48x1000000xf32, #tpu.memory_space<hbm>> -> memref<48x128xf32, #tpu.memory_space<hbm>>
    tpu.enqueue_dma source(%dma_start3A_298 : memref<48x128xf32, #tpu.memory_space<hbm>>) target(%dma_start3A_296 : memref<48x128xf32, #tpu.memory_space<vmem>>) target_semaphore(%arg9 : memref<!tpu.dma_semaphore, #tpu.memory_space<semaphore_mem>>)
    %slice3A_299 = vector.extract_strided_slice %get3A_3 {offsets = [15], sizes = [1], strides = [1]} : vector<16xi32> to vector<1xi32>
    %squeeze3A_300 = vector.extract %slice3A_299[0] : i32 from vector<1xi32>
    %shift_right_arithmetic3A_301 = arith.constant 7 : i32
    %shift_right_arithmetic3A_302 = arith.shrsi %squeeze3A_300, %shift_right_arithmetic3A_301 : i32
    %mul3A_303 = arith.constant 128 : i32
    %mul3A_304 = arith.muli %shift_right_arithmetic3A_302, %mul3A_303 : i32
    %multiple_of3A_305 = tpu.assume_multiple %mul3A_304, 128 : i32
    %dma_start3A_306 = arith.constant 15 : i32
    %dma_start3A_307 = arith.constant 0 : i32
    %dma_start3A_308 = arith.constant 0 : i32
    %dma_start3A_309 = tpu.memref_slice %arg6[%dma_start3A_306, %dma_start3A_307, %dma_start3A_308] : memref<16x48x128xf32, #tpu.memory_space<vmem>> -> memref<1x48x128xf32, #tpu.memory_space<vmem>>
    %dma_start3A_310 = tpu.memref_squeeze %dma_start3A_309 : memref<1x48x128xf32, #tpu.memory_space<vmem>> -> memref<48x128xf32, #tpu.memory_space<vmem>>
    %dma_start3A_311 = arith.constant 0 : i32
    %dma_start3A_312 = tpu.memref_slice %arg3[%dma_start3A_311, %multiple_of3A_305] : memref<48x1000000xf32, #tpu.memory_space<hbm>> -> memref<48x128xf32, #tpu.memory_space<hbm>>
    %dma_start3A_313 = arith.constant 0 : i32
    %dma_start3A_314 = arith.constant 0 : i32
    %dma_start3A_315 = tpu.memref_slice %arg6[%dma_start3A_306, %dma_start3A_313, %dma_start3A_314] : memref<16x48x128xf32, #tpu.memory_space<vmem>> -> memref<1x48x128xf32, #tpu.memory_space<vmem>>
    %dma_start3A_316 = tpu.memref_squeeze %dma_start3A_315 : memref<1x48x128xf32, #tpu.memory_space<vmem>> -> memref<48x128xf32, #tpu.memory_space<vmem>>
    %dma_start3A_317 = arith.constant 0 : i32
    %dma_start3A_318 = tpu.memref_slice %arg3[%dma_start3A_317, %multiple_of3A_305] : memref<48x1000000xf32, #tpu.memory_space<hbm>> -> memref<48x128xf32, #tpu.memory_space<hbm>>
    tpu.enqueue_dma source(%dma_start3A_318 : memref<48x128xf32, #tpu.memory_space<hbm>>) target(%dma_start3A_316 : memref<48x128xf32, #tpu.memory_space<vmem>>) target_semaphore(%arg9 : memref<!tpu.dma_semaphore, #tpu.memory_space<semaphore_mem>>)
    %scan3A = arith.constant 0 : i32
    %scan3A_319 = arith.constant 32 : i32
    %scan3A_320 = arith.addi %scan3A, %scan3A_319 : i32
    %scan3A_321 = arith.constant 1 : i32
    scf.for %scan3A_330 = %scan3A to %scan3A_320 step %scan3A_321  : i32 {
      %mul3A_331 = arith.constant 16 : i32
      %mul3A_332 = arith.muli %scan3A_330, %mul3A_331 : i32
      %get3A_333 = arith.index_cast %mul3A_332 : i32 to index
      %get3A_334 = tpu.vector_load %arg5[%get3A_333] {strides = array<i32>} : memref<512xi32, #tpu.memory_space<vmem>>, vector<16xi32>,
      %dma_wait3A_335 = arith.constant 0 : i32
      %dma_wait3A_336 = arith.constant 0 : i32
      %dma_wait3A_337 = arith.constant 0 : i32
      %dma_wait3A_338 = tpu.memref_slice %arg6[%dma_wait3A_335, %dma_wait3A_336, %dma_wait3A_337] : memref<16x48x128xf32, #tpu.memory_space<vmem>> -> memref<8x48x128xf32, #tpu.memory_space<vmem>>
      %dma_wait3A_339 = arith.constant 0 : i32
      %dma_wait3A_340 = arith.constant 0 : i32
      %dma_wait3A_341 = tpu.memref_slice %arg3[%dma_wait3A_339, %dma_wait3A_340] : memref<48x1000000xf32, #tpu.memory_space<hbm>> -> memref<48x1024xf32, #tpu.memory_space<hbm>>
      %dma_wait3A_342 = arith.constant 0 : i32
      %dma_wait3A_343 = arith.constant 0 : i32
      %dma_wait3A_344 = arith.constant 0 : i32
      %dma_wait3A_345 = tpu.memref_slice %arg6[%dma_wait3A_342, %dma_wait3A_343, %dma_wait3A_344] : memref<16x48x128xf32, #tpu.memory_space<vmem>> -> memref<8x48x128xf32, #tpu.memory_space<vmem>>
      %dma_wait3A_346 = arith.constant 0 : i32
      %dma_wait3A_347 = arith.constant 0 : i32
      %dma_wait3A_348 = tpu.memref_slice %arg3[%dma_wait3A_346, %dma_wait3A_347] : memref<48x1000000xf32, #tpu.memory_space<hbm>> -> memref<48x1024xf32, #tpu.memory_space<hbm>>
      tpu.wait_dma2 semaphore(%arg8 : memref<!tpu.dma_semaphore, #tpu.memory_space<semaphore_mem>>) src(%dma_wait3A_348 : memref<48x1024xf32, #tpu.memory_space<hbm>>) dst(%dma_wait3A_345 : memref<8x48x128xf32, #tpu.memory_space<vmem>>)
      %and3A = arith.constant 127 : i32
      %and3A_349 = vector.broadcast %and3A : i32 to vector<16xi32>
      %and3A_350 = arith.andi %get3A_334, %and3A_349 : vector<16xi32>
      %mul3A_351 = arith.constant 16 : i32
      %mul3A_352 = arith.muli %scan3A_330, %mul3A_351 : i32
      %add3A_353 = arith.constant 0 : i32
      %add3A_354 = arith.addi %mul3A_352, %add3A_353 : i32
      %add3A_355 = arith.constant 0 : i32
      %add3A_356 = arith.addi %add3A_354, %add3A_355 : i32
      %broadcast_in_dim3A = arith.constant 0 : i32
      %broadcast_in_dim3A_357 = vector.broadcast %broadcast_in_dim3A : i32 to vector<16xi32>
      %slice3A_358 = vector.extract_strided_slice %and3A_350 {offsets = [0], sizes = [1], strides = [1]} : vector<16xi32> to vector<1xi32>
      %squeeze3A_359 = vector.extract %slice3A_358[0] : i32 from vector<1xi32>
      %broadcast_in_dim3A_360 = vector.broadcast %squeeze3A_359 : i32 to vector<16xi32>
      %broadcast_in_dim3A_361 = vector.broadcast %add3A_356 : i32 to vector<16xi32>
      %add3A_362 = arith.constant 0 : i32
      %add3A_363 = vector.broadcast %add3A_362 : i32 to vector<16xi32>
      %add3A_364 = arith.addi %iota3A, %add3A_363 : vector<16xi32>
      %gather3A = tpu.vector_load_idx %arg6[%broadcast_in_dim3A_357, %add3A_364, %broadcast_in_dim3A_360] : memref<16x48x128xf32, #tpu.memory_space<vmem>>[vector<16xi32>, vector<16xi32>, vector<16xi32>], vector<16xf32>,
      tpu.vector_store_idx %arg7[%add3A_364, %broadcast_in_dim3A_361], %gather3A : memref<48x512xf32, #tpu.memory_space<vmem>>[vector<16xi32>, vector<16xi32>], vector<16xf32>,
      %add3A_365 = arith.constant 16 : i32
      %add3A_366 = vector.broadcast %add3A_365 : i32 to vector<16xi32>
      %add3A_367 = arith.addi %iota3A, %add3A_366 : vector<16xi32>
      %gather3A_368 = tpu.vector_load_idx %arg6[%broadcast_in_dim3A_357, %add3A_367, %broadcast_in_dim3A_360] : memref<16x48x128xf32, #tpu.memory_space<vmem>>[vector<16xi32>, vector<16xi32>, vector<16xi32>], vector<16xf32>,
      tpu.vector_store_idx %arg7[%add3A_367, %broadcast_in_dim3A_361], %gather3A_368 : memref<48x512xf32, #tpu.memory_space<vmem>>[vector<16xi32>, vector<16xi32>], vector<16xf32>,
      %add3A_369 = arith.constant 32 : i32
      %add3A_370 = vector.broadcast %add3A_369 : i32 to vector<16xi32>
      %add3A_371 = arith.addi %iota3A, %add3A_370 : vector<16xi32>
      %gather3A_372 = tpu.vector_load_idx %arg6[%broadcast_in_dim3A_357, %add3A_371, %broadcast_in_dim3A_360] : memref<16x48x128xf32, #tpu.memory_space<vmem>>[vector<16xi32>, vector<16xi32>, vector<16xi32>], vector<16xf32>,
      tpu.vector_store_idx %arg7[%add3A_371, %broadcast_in_dim3A_361], %gather3A_372 : memref<48x512xf32, #tpu.memory_space<vmem>>[vector<16xi32>, vector<16xi32>], vector<16xf32>,
      %mul3A_373 = arith.constant 16 : i32
      %mul3A_374 = arith.muli %scan3A_330, %mul3A_373 : i32
      %add3A_375 = arith.constant 0 : i32
      %add3A_376 = arith.addi %mul3A_374, %add3A_375 : i32
      %add3A_377 = arith.constant 1 : i32
      %add3A_378 = arith.addi %add3A_376, %add3A_377 : i32
      %broadcast_in_dim3A_379 = arith.constant 1 : i32
      %broadcast_in_dim3A_380 = vector.broadcast %broadcast_in_dim3A_379 : i32 to vector<16xi32>
      %slice3A_381 = vector.extract_strided_slice %and3A_350 {offsets = [1], sizes = [1], strides = [1]} : vector<16xi32> to vector<1xi32>
      %squeeze3A_382 = vector.extract %slice3A_381[0] : i32 from vector<1xi32>
      %broadcast_in_dim3A_383 = vector.broadcast %squeeze3A_382 : i32 to vector<16xi32>
      %broadcast_in_dim3A_384 = vector.broadcast %add3A_378 : i32 to vector<16xi32>
      %add3A_385 = arith.constant 0 : i32
      %add3A_386 = vector.broadcast %add3A_385 : i32 to vector<16xi32>
      %add3A_387 = arith.addi %iota3A, %add3A_386 : vector<16xi32>
      %gather3A_388 = tpu.vector_load_idx %arg6[%broadcast_in_dim3A_380, %add3A_387, %broadcast_in_dim3A_383] : memref<16x48x128xf32, #tpu.memory_space<vmem>>[vector<16xi32>, vector<16xi32>, vector<16xi32>], vector<16xf32>,
      tpu.vector_store_idx %arg7[%add3A_387, %broadcast_in_dim3A_384], %gather3A_388 : memref<48x512xf32, #tpu.memory_space<vmem>>[vector<16xi32>, vector<16xi32>], vector<16xf32>,
      %add3A_389 = arith.constant 16 : i32
      %add3A_390 = vector.broadcast %add3A_389 : i32 to vector<16xi32>
      %add3A_391 = arith.addi %iota3A, %add3A_390 : vector<16xi32>
      %gather3A_392 = tpu.vector_load_idx %arg6[%broadcast_in_dim3A_380, %add3A_391, %broadcast_in_dim3A_383] : memref<16x48x128xf32, #tpu.memory_space<vmem>>[vector<16xi32>, vector<16xi32>, vector<16xi32>], vector<16xf32>,
      tpu.vector_store_idx %arg7[%add3A_391, %broadcast_in_dim3A_384], %gather3A_392 : memref<48x512xf32, #tpu.memory_space<vmem>>[vector<16xi32>, vector<16xi32>], vector<16xf32>,
      %add3A_393 = arith.constant 32 : i32
      %add3A_394 = vector.broadcast %add3A_393 : i32 to vector<16xi32>
      %add3A_395 = arith.addi %iota3A, %add3A_394 : vector<16xi32>
      %gather3A_396 = tpu.vector_load_idx %arg6[%broadcast_in_dim3A_380, %add3A_395, %broadcast_in_dim3A_383] : memref<16x48x128xf32, #tpu.memory_space<vmem>>[vector<16xi32>, vector<16xi32>, vector<16xi32>], vector<16xf32>,
      tpu.vector_store_idx %arg7[%add3A_395, %broadcast_in_dim3A_384], %gather3A_396 : memref<48x512xf32, #tpu.memory_space<vmem>>[vector<16xi32>, vector<16xi32>], vector<16xf32>,
      %mul3A_397 = arith.constant 16 : i32
      %mul3A_398 = arith.muli %scan3A_330, %mul3A_397 : i32
      %add3A_399 = arith.constant 0 : i32
      %add3A_400 = arith.addi %mul3A_398, %add3A_399 : i32
      %add3A_401 = arith.constant 2 : i32
      %add3A_402 = arith.addi %add3A_400, %add3A_401 : i32
      %broadcast_in_dim3A_403 = arith.constant 2 : i32
      %broadcast_in_dim3A_404 = vector.broadcast %broadcast_in_dim3A_403 : i32 to vector<16xi32>
      %slice3A_405 = vector.extract_strided_slice %and3A_350 {offsets = [2], sizes = [1], strides = [1]} : vector<16xi32> to vector<1xi32>
      %squeeze3A_406 = vector.extract %slice3A_405[0] : i32 from vector<1xi32>
      %broadcast_in_dim3A_407 = vector.broadcast %squeeze3A_406 : i32 to vector<16xi32>
      %broadcast_in_dim3A_408 = vector.broadcast %add3A_402 : i32 to vector<16xi32>
      %add3A_409 = arith.constant 0 : i32
      %add3A_410 = vector.broadcast %add3A_409 : i32 to vector<16xi32>
      %add3A_411 = arith.addi %iota3A, %add3A_410 : vector<16xi32>
      %gather3A_412 = tpu.vector_load_idx %arg6[%broadcast_in_dim3A_404, %add3A_411, %broadcast_in_dim3A_407] : memref<16x48x128xf32, #tpu.memory_space<vmem>>[vector<16xi32>, vector<16xi32>, vector<16xi32>], vector<16xf32>,
      tpu.vector_store_idx %arg7[%add3A_411, %broadcast_in_dim3A_408], %gather3A_412 : memref<48x512xf32, #tpu.memory_space<vmem>>[vector<16xi32>, vector<16xi32>], vector<16xf32>,
      %add3A_413 = arith.constant 16 : i32
      %add3A_414 = vector.broadcast %add3A_413 : i32 to vector<16xi32>
      %add3A_415 = arith.addi %iota3A, %add3A_414 : vector<16xi32>
      %gather3A_416 = tpu.vector_load_idx %arg6[%broadcast_in_dim3A_404, %add3A_415, %broadcast_in_dim3A_407] : memref<16x48x128xf32, #tpu.memory_space<vmem>>[vector<16xi32>, vector<16xi32>, vector<16xi32>], vector<16xf32>,
      tpu.vector_store_idx %arg7[%add3A_415, %broadcast_in_dim3A_408], %gather3A_416 : memref<48x512xf32, #tpu.memory_space<vmem>>[vector<16xi32>, vector<16xi32>], vector<16xf32>,
      %add3A_417 = arith.constant 32 : i32
      %add3A_418 = vector.broadcast %add3A_417 : i32 to vector<16xi32>
      %add3A_419 = arith.addi %iota3A, %add3A_418 : vector<16xi32>
      %gather3A_420 = tpu.vector_load_idx %arg6[%broadcast_in_dim3A_404, %add3A_419, %broadcast_in_dim3A_407] : memref<16x48x128xf32, #tpu.memory_space<vmem>>[vector<16xi32>, vector<16xi32>, vector<16xi32>], vector<16xf32>,
      tpu.vector_store_idx %arg7[%add3A_419, %broadcast_in_dim3A_408], %gather3A_420 : memref<48x512xf32, #tpu.memory_space<vmem>>[vector<16xi32>, vector<16xi32>], vector<16xf32>,
      %mul3A_421 = arith.constant 16 : i32
      %mul3A_422 = arith.muli %scan3A_330, %mul3A_421 : i32
      %add3A_423 = arith.constant 0 : i32
      %add3A_424 = arith.addi %mul3A_422, %add3A_423 : i32
      %add3A_425 = arith.constant 3 : i32
      %add3A_426 = arith.addi %add3A_424, %add3A_425 : i32
      %broadcast_in_dim3A_427 = arith.constant 3 : i32
      %broadcast_in_dim3A_428 = vector.broadcast %broadcast_in_dim3A_427 : i32 to vector<16xi32>
      %slice3A_429 = vector.extract_strided_slice %and3A_350 {offsets = [3], sizes = [1], strides = [1]} : vector<16xi32> to vector<1xi32>
      %squeeze3A_430 = vector.extract %slice3A_429[0] : i32 from vector<1xi32>
      %broadcast_in_dim3A_431 = vector.broadcast %squeeze3A_430 : i32 to vector<16xi32>
      %broadcast_in_dim3A_432 = vector.broadcast %add3A_426 : i32 to vector<16xi32>
      %add3A_433 = arith.constant 0 : i32
      %add3A_434 = vector.broadcast %add3A_433 : i32 to vector<16xi32>
      %add3A_435 = arith.addi %iota3A, %add3A_434 : vector<16xi32>
      %gather3A_436 = tpu.vector_load_idx %arg6[%broadcast_in_dim3A_428, %add3A_435, %broadcast_in_dim3A_431] : memref<16x48x128xf32, #tpu.memory_space<vmem>>[vector<16xi32>, vector<16xi32>, vector<16xi32>], vector<16xf32>,
      tpu.vector_store_idx %arg7[%add3A_435, %broadcast_in_dim3A_432], %gather3A_436 : memref<48x512xf32, #tpu.memory_space<vmem>>[vector<16xi32>, vector<16xi32>], vector<16xf32>,
      %add3A_437 = arith.constant 16 : i32
      %add3A_438 = vector.broadcast %add3A_437 : i32 to vector<16xi32>
      %add3A_439 = arith.addi %iota3A, %add3A_438 : vector<16xi32>
      %gather3A_440 = tpu.vector_load_idx %arg6[%broadcast_in_dim3A_428, %add3A_439, %broadcast_in_dim3A_431] : memref<16x48x128xf32, #tpu.memory_space<vmem>>[vector<16xi32>, vector<16xi32>, vector<16xi32>], vector<16xf32>,
      tpu.vector_store_idx %arg7[%add3A_439, %broadcast_in_dim3A_432], %gather3A_440 : memref<48x512xf32, #tpu.memory_space<vmem>>[vector<16xi32>, vector<16xi32>], vector<16xf32>,
      %add3A_441 = arith.constant 32 : i32
      %add3A_442 = vector.broadcast %add3A_441 : i32 to vector<16xi32>
      %add3A_443 = arith.addi %iota3A, %add3A_442 : vector<16xi32>
      %gather3A_444 = tpu.vector_load_idx %arg6[%broadcast_in_dim3A_428, %add3A_443, %broadcast_in_dim3A_431] : memref<16x48x128xf32, #tpu.memory_space<vmem>>[vector<16xi32>, vector<16xi32>, vector<16xi32>], vector<16xf32>,
      tpu.vector_store_idx %arg7[%add3A_443, %broadcast_in_dim3A_432], %gather3A_444 : memref<48x512xf32, #tpu.memory_space<vmem>>[vector<16xi32>, vector<16xi32>], vector<16xf32>,
      %mul3A_445 = arith.constant 16 : i32
      %mul3A_446 = arith.muli %scan3A_330, %mul3A_445 : i32
      %add3A_447 = arith.constant 0 : i32
      %add3A_448 = arith.addi %mul3A_446, %add3A_447 : i32
      %add3A_449 = arith.constant 4 : i32
      %add3A_450 = arith.addi %add3A_448, %add3A_449 : i32
      %broadcast_in_dim3A_451 = arith.constant 4 : i32
      %broadcast_in_dim3A_452 = vector.broadcast %broadcast_in_dim3A_451 : i32 to vector<16xi32>
      %slice3A_453 = vector.extract_strided_slice %and3A_350 {offsets = [4], sizes = [1], strides = [1]} : vector<16xi32> to vector<1xi32>
      %squeeze3A_454 = vector.extract %slice3A_453[0] : i32 from vector<1xi32>
      %broadcast_in_dim3A_455 = vector.broadcast %squeeze3A_454 : i32 to vector<16xi32>
      %broadcast_in_dim3A_456 = vector.broadcast %add3A_450 : i32 to vector<16xi32>
      %add3A_457 = arith.constant 0 : i32
      %add3A_458 = vector.broadcast %add3A_457 : i32 to vector<16xi32>
      %add3A_459 = arith.addi %iota3A, %add3A_458 : vector<16xi32>
      %gather3A_460 = tpu.vector_load_idx %arg6[%broadcast_in_dim3A_452, %add3A_459, %broadcast_in_dim3A_455] : memref<16x48x128xf32, #tpu.memory_space<vmem>>[vector<16xi32>, vector<16xi32>, vector<16xi32>], vector<16xf32>,
      tpu.vector_store_idx %arg7[%add3A_459, %broadcast_in_dim3A_456], %gather3A_460 : memref<48x512xf32, #tpu.memory_space<vmem>>[vector<16xi32>, vector<16xi32>], vector<16xf32>,
      %add3A_461 = arith.constant 16 : i32
      %add3A_462 = vector.broadcast %add3A_461 : i32 to vector<16xi32>
      %add3A_463 = arith.addi %iota3A, %add3A_462 : vector<16xi32>
      %gather3A_464 = tpu.vector_load_idx %arg6[%broadcast_in_dim3A_452, %add3A_463, %broadcast_in_dim3A_455] : memref<16x48x128xf32, #tpu.memory_space<vmem>>[vector<16xi32>, vector<16xi32>, vector<16xi32>], vector<16xf32>,
      tpu.vector_store_idx %arg7[%add3A_463, %broadcast_in_dim3A_456], %gather3A_464 : memref<48x512xf32, #tpu.memory_space<vmem>>[vector<16xi32>, vector<16xi32>], vector<16xf32>,
      %add3A_465 = arith.constant 32 : i32
      %add3A_466 = vector.broadcast %add3A_465 : i32 to vector<16xi32>
      %add3A_467 = arith.addi %iota3A, %add3A_466 : vector<16xi32>
      %gather3A_468 = tpu.vector_load_idx %arg6[%broadcast_in_dim3A_452, %add3A_467, %broadcast_in_dim3A_455] : memref<16x48x128xf32, #tpu.memory_space<vmem>>[vector<16xi32>, vector<16xi32>, vector<16xi32>], vector<16xf32>,
      tpu.vector_store_idx %arg7[%add3A_467, %broadcast_in_dim3A_456], %gather3A_468 : memref<48x512xf32, #tpu.memory_space<vmem>>[vector<16xi32>, vector<16xi32>], vector<16xf32>,
      %mul3A_469 = arith.constant 16 : i32
      %mul3A_470 = arith.muli %scan3A_330, %mul3A_469 : i32
      %add3A_471 = arith.constant 0 : i32
      %add3A_472 = arith.addi %mul3A_470, %add3A_471 : i32
      %add3A_473 = arith.constant 5 : i32
      %add3A_474 = arith.addi %add3A_472, %add3A_473 : i32
      %broadcast_in_dim3A_475 = arith.constant 5 : i32
      %broadcast_in_dim3A_476 = vector.broadcast %broadcast_in_dim3A_475 : i32 to vector<16xi32>
      %slice3A_477 = vector.extract_strided_slice %and3A_350 {offsets = [5], sizes = [1], strides = [1]} : vector<16xi32> to vector<1xi32>
      %squeeze3A_478 = vector.extract %slice3A_477[0] : i32 from vector<1xi32>
      %broadcast_in_dim3A_479 = vector.broadcast %squeeze3A_478 : i32 to vector<16xi32>
      %broadcast_in_dim3A_480 = vector.broadcast %add3A_474 : i32 to vector<16xi32>
      %add3A_481 = arith.constant 0 : i32
      %add3A_482 = vector.broadcast %add3A_481 : i32 to vector<16xi32>
      %add3A_483 = arith.addi %iota3A, %add3A_482 : vector<16xi32>
      %gather3A_484 = tpu.vector_load_idx %arg6[%broadcast_in_dim3A_476, %add3A_483, %broadcast_in_dim3A_479] : memref<16x48x128xf32, #tpu.memory_space<vmem>>[vector<16xi32>, vector<16xi32>, vector<16xi32>], vector<16xf32>,
      tpu.vector_store_idx %arg7[%add3A_483, %broadcast_in_dim3A_480], %gather3A_484 : memref<48x512xf32, #tpu.memory_space<vmem>>[vector<16xi32>, vector<16xi32>], vector<16xf32>,
      %add3A_485 = arith.constant 16 : i32
      %add3A_486 = vector.broadcast %add3A_485 : i32 to vector<16xi32>
      %add3A_487 = arith.addi %iota3A, %add3A_486 : vector<16xi32>
      %gather3A_488 = tpu.vector_load_idx %arg6[%broadcast_in_dim3A_476, %add3A_487, %broadcast_in_dim3A_479] : memref<16x48x128xf32, #tpu.memory_space<vmem>>[vector<16xi32>, vector<16xi32>, vector<16xi32>], vector<16xf32>,
      tpu.vector_store_idx %arg7[%add3A_487, %broadcast_in_dim3A_480], %gather3A_488 : memref<48x512xf32, #tpu.memory_space<vmem>>[vector<16xi32>, vector<16xi32>], vector<16xf32>,
      %add3A_489 = arith.constant 32 : i32
      %add3A_490 = vector.broadcast %add3A_489 : i32 to vector<16xi32>
      %add3A_491 = arith.addi %iota3A, %add3A_490 : vector<16xi32>
      %gather3A_492 = tpu.vector_load_idx %arg6[%broadcast_in_dim3A_476, %add3A_491, %broadcast_in_dim3A_479] : memref<16x48x128xf32, #tpu.memory_space<vmem>>[vector<16xi32>, vector<16xi32>, vector<16xi32>], vector<16xf32>,
      tpu.vector_store_idx %arg7[%add3A_491, %broadcast_in_dim3A_480], %gather3A_492 : memref<48x512xf32, #tpu.memory_space<vmem>>[vector<16xi32>, vector<16xi32>], vector<16xf32>,
      %mul3A_493 = arith.constant 16 : i32
      %mul3A_494 = arith.muli %scan3A_330, %mul3A_493 : i32
      %add3A_495 = arith.constant 0 : i32
      %add3A_496 = arith.addi %mul3A_494, %add3A_495 : i32
      %add3A_497 = arith.constant 6 : i32
      %add3A_498 = arith.addi %add3A_496, %add3A_497 : i32
      %broadcast_in_dim3A_499 = arith.constant 6 : i32
      %broadcast_in_dim3A_500 = vector.broadcast %broadcast_in_dim3A_499 : i32 to vector<16xi32>
      %slice3A_501 = vector.extract_strided_slice %and3A_350 {offsets = [6], sizes = [1], strides = [1]} : vector<16xi32> to vector<1xi32>
      %squeeze3A_502 = vector.extract %slice3A_501[0] : i32 from vector<1xi32>
      %broadcast_in_dim3A_503 = vector.broadcast %squeeze3A_502 : i32 to vector<16xi32>
      %broadcast_in_dim3A_504 = vector.broadcast %add3A_498 : i32 to vector<16xi32>
      %add3A_505 = arith.constant 0 : i32
      %add3A_506 = vector.broadcast %add3A_505 : i32 to vector<16xi32>
      %add3A_507 = arith.addi %iota3A, %add3A_506 : vector<16xi32>
      %gather3A_508 = tpu.vector_load_idx %arg6[%broadcast_in_dim3A_500, %add3A_507, %broadcast_in_dim3A_503] : memref<16x48x128xf32, #tpu.memory_space<vmem>>[vector<16xi32>, vector<16xi32>, vector<16xi32>], vector<16xf32>,
      tpu.vector_store_idx %arg7[%add3A_507, %broadcast_in_dim3A_504], %gather3A_508 : memref<48x512xf32, #tpu.memory_space<vmem>>[vector<16xi32>, vector<16xi32>], vector<16xf32>,
      %add3A_509 = arith.constant 16 : i32
      %add3A_510 = vector.broadcast %add3A_509 : i32 to vector<16xi32>
      %add3A_511 = arith.addi %iota3A, %add3A_510 : vector<16xi32>
      %gather3A_512 = tpu.vector_load_idx %arg6[%broadcast_in_dim3A_500, %add3A_511, %broadcast_in_dim3A_503] : memref<16x48x128xf32, #tpu.memory_space<vmem>>[vector<16xi32>, vector<16xi32>, vector<16xi32>], vector<16xf32>,
      tpu.vector_store_idx %arg7[%add3A_511, %broadcast_in_dim3A_504], %gather3A_512 : memref<48x512xf32, #tpu.memory_space<vmem>>[vector<16xi32>, vector<16xi32>], vector<16xf32>,
      %add3A_513 = arith.constant 32 : i32
      %add3A_514 = vector.broadcast %add3A_513 : i32 to vector<16xi32>
      %add3A_515 = arith.addi %iota3A, %add3A_514 : vector<16xi32>
      %gather3A_516 = tpu.vector_load_idx %arg6[%broadcast_in_dim3A_500, %add3A_515, %broadcast_in_dim3A_503] : memref<16x48x128xf32, #tpu.memory_space<vmem>>[vector<16xi32>, vector<16xi32>, vector<16xi32>], vector<16xf32>,
      tpu.vector_store_idx %arg7[%add3A_515, %broadcast_in_dim3A_504], %gather3A_516 : memref<48x512xf32, #tpu.memory_space<vmem>>[vector<16xi32>, vector<16xi32>], vector<16xf32>,
      %mul3A_517 = arith.constant 16 : i32
      %mul3A_518 = arith.muli %scan3A_330, %mul3A_517 : i32
      %add3A_519 = arith.constant 0 : i32
      %add3A_520 = arith.addi %mul3A_518, %add3A_519 : i32
      %add3A_521 = arith.constant 7 : i32
      %add3A_522 = arith.addi %add3A_520, %add3A_521 : i32
      %broadcast_in_dim3A_523 = arith.constant 7 : i32
      %broadcast_in_dim3A_524 = vector.broadcast %broadcast_in_dim3A_523 : i32 to vector<16xi32>
      %slice3A_525 = vector.extract_strided_slice %and3A_350 {offsets = [7], sizes = [1], strides = [1]} : vector<16xi32> to vector<1xi32>
      %squeeze3A_526 = vector.extract %slice3A_525[0] : i32 from vector<1xi32>
      %broadcast_in_dim3A_527 = vector.broadcast %squeeze3A_526 : i32 to vector<16xi32>
      %broadcast_in_dim3A_528 = vector.broadcast %add3A_522 : i32 to vector<16xi32>
      %add3A_529 = arith.constant 0 : i32
      %add3A_530 = vector.broadcast %add3A_529 : i32 to vector<16xi32>
      %add3A_531 = arith.addi %iota3A, %add3A_530 : vector<16xi32>
      %gather3A_532 = tpu.vector_load_idx %arg6[%broadcast_in_dim3A_524, %add3A_531, %broadcast_in_dim3A_527] : memref<16x48x128xf32, #tpu.memory_space<vmem>>[vector<16xi32>, vector<16xi32>, vector<16xi32>], vector<16xf32>,
      tpu.vector_store_idx %arg7[%add3A_531, %broadcast_in_dim3A_528], %gather3A_532 : memref<48x512xf32, #tpu.memory_space<vmem>>[vector<16xi32>, vector<16xi32>], vector<16xf32>,
      %add3A_533 = arith.constant 16 : i32
      %add3A_534 = vector.broadcast %add3A_533 : i32 to vector<16xi32>
      %add3A_535 = arith.addi %iota3A, %add3A_534 : vector<16xi32>
      %gather3A_536 = tpu.vector_load_idx %arg6[%broadcast_in_dim3A_524, %add3A_535, %broadcast_in_dim3A_527] : memref<16x48x128xf32, #tpu.memory_space<vmem>>[vector<16xi32>, vector<16xi32>, vector<16xi32>], vector<16xf32>,
      tpu.vector_store_idx %arg7[%add3A_535, %broadcast_in_dim3A_528], %gather3A_536 : memref<48x512xf32, #tpu.memory_space<vmem>>[vector<16xi32>, vector<16xi32>], vector<16xf32>,
      %add3A_537 = arith.constant 32 : i32
      %add3A_538 = vector.broadcast %add3A_537 : i32 to vector<16xi32>
      %add3A_539 = arith.addi %iota3A, %add3A_538 : vector<16xi32>
      %gather3A_540 = tpu.vector_load_idx %arg6[%broadcast_in_dim3A_524, %add3A_539, %broadcast_in_dim3A_527] : memref<16x48x128xf32, #tpu.memory_space<vmem>>[vector<16xi32>, vector<16xi32>, vector<16xi32>], vector<16xf32>,
      tpu.vector_store_idx %arg7[%add3A_539, %broadcast_in_dim3A_528], %gather3A_540 : memref<48x512xf32, #tpu.memory_space<vmem>>[vector<16xi32>, vector<16xi32>], vector<16xf32>,
      %lt3A = arith.constant 31 : i32
      %lt3A_541 = arith.cmpi slt, %scan3A_330, %lt3A : i32
      %convert_element_type3A = arith.extui %lt3A_541 : i1 to i32
      %cond3A = arith.constant 0 : i32
      %cond3A_542 = arith.cmpi ne, %convert_element_type3A, %cond3A : i32
      scf.if %cond3A_542 {
        %add3A_757 = arith.constant 1 : i32
        %add3A_758 = arith.addi %scan3A_330, %add3A_757 : i32
        %mul3A_759 = arith.constant 16 : i32
        %mul3A_760 = arith.muli %add3A_758, %mul3A_759 : i32
        %get3A_761 = arith.index_cast %mul3A_760 : i32 to index
        %get3A_762 = tpu.vector_load %arg5[%get3A_761] {strides = array<i32>} : memref<512xi32, #tpu.memory_space<vmem>>, vector<16xi32>,
        %slice3A_763 = vector.extract_strided_slice %get3A_762 {offsets = [0], sizes = [1], strides = [1]} : vector<16xi32> to vector<1xi32>
        %squeeze3A_764 = vector.extract %slice3A_763[0] : i32 from vector<1xi32>
        %shift_right_arithmetic3A_765 = arith.constant 7 : i32
        %shift_right_arithmetic3A_766 = arith.shrsi %squeeze3A_764, %shift_right_arithmetic3A_765 : i32
        %mul3A_767 = arith.constant 128 : i32
        %mul3A_768 = arith.muli %shift_right_arithmetic3A_766, %mul3A_767 : i32
        %multiple_of3A_769 = tpu.assume_multiple %mul3A_768, 128 : i32
        %dma_start3A_770 = arith.constant 0 : i32
        %dma_start3A_771 = arith.constant 0 : i32
        %dma_start3A_772 = arith.constant 0 : i32
        %dma_start3A_773 = tpu.memref_slice %arg6[%dma_start3A_770, %dma_start3A_771, %dma_start3A_772] : memref<16x48x128xf32, #tpu.memory_space<vmem>> -> memref<1x48x128xf32, #tpu.memory_space<vmem>>
        %dma_start3A_774 = tpu.memref_squeeze %dma_start3A_773 : memref<1x48x128xf32, #tpu.memory_space<vmem>> -> memref<48x128xf32, #tpu.memory_space<vmem>>
        %dma_start3A_775 = arith.constant 0 : i32
        %dma_start3A_776 = tpu.memref_slice %arg3[%dma_start3A_775, %multiple_of3A_769] : memref<48x1000000xf32, #tpu.memory_space<hbm>> -> memref<48x128xf32, #tpu.memory_space<hbm>>
        %dma_start3A_777 = arith.constant 0 : i32
        %dma_start3A_778 = arith.constant 0 : i32
        %dma_start3A_779 = tpu.memref_slice %arg6[%dma_start3A_770, %dma_start3A_777, %dma_start3A_778] : memref<16x48x128xf32, #tpu.memory_space<vmem>> -> memref<1x48x128xf32, #tpu.memory_space<vmem>>
        %dma_start3A_780 = tpu.memref_squeeze %dma_start3A_779 : memref<1x48x128xf32, #tpu.memory_space<vmem>> -> memref<48x128xf32, #tpu.memory_space<vmem>>
        %dma_start3A_781 = arith.constant 0 : i32
        %dma_start3A_782 = tpu.memref_slice %arg3[%dma_start3A_781, %multiple_of3A_769] : memref<48x1000000xf32, #tpu.memory_space<hbm>> -> memref<48x128xf32, #tpu.memory_space<hbm>>
        tpu.enqueue_dma source(%dma_start3A_782 : memref<48x128xf32, #tpu.memory_space<hbm>>) target(%dma_start3A_780 : memref<48x128xf32, #tpu.memory_space<vmem>>) target_semaphore(%arg8 : memref<!tpu.dma_semaphore, #tpu.memory_space<semaphore_mem>>)
        %slice3A_783 = vector.extract_strided_slice %get3A_762 {offsets = [1], sizes = [1], strides = [1]} : vector<16xi32> to vector<1xi32>
        %squeeze3A_784 = vector.extract %slice3A_783[0] : i32 from vector<1xi32>
        %shift_right_arithmetic3A_785 = arith.constant 7 : i32
        %shift_right_arithmetic3A_786 = arith.shrsi %squeeze3A_784, %shift_right_arithmetic3A_785 : i32
        %mul3A_787 = arith.constant 128 : i32
        %mul3A_788 = arith.muli %shift_right_arithmetic3A_786, %mul3A_787 : i32
        %multiple_of3A_789 = tpu.assume_multiple %mul3A_788, 128 : i32
        %dma_start3A_790 = arith.constant 1 : i32
        %dma_start3A_791 = arith.constant 0 : i32
        %dma_start3A_792 = arith.constant 0 : i32
        %dma_start3A_793 = tpu.memref_slice %arg6[%dma_start3A_790, %dma_start3A_791, %dma_start3A_792] : memref<16x48x128xf32, #tpu.memory_space<vmem>> -> memref<1x48x128xf32, #tpu.memory_space<vmem>>
        %dma_start3A_794 = tpu.memref_squeeze %dma_start3A_793 : memref<1x48x128xf32, #tpu.memory_space<vmem>> -> memref<48x128xf32, #tpu.memory_space<vmem>>
        %dma_start3A_795 = arith.constant 0 : i32
        %dma_start3A_796 = tpu.memref_slice %arg3[%dma_start3A_795, %multiple_of3A_789] : memref<48x1000000xf32, #tpu.memory_space<hbm>> -> memref<48x128xf32, #tpu.memory_space<hbm>>
        %dma_start3A_797 = arith.constant 0 : i32
        %dma_start3A_798 = arith.constant 0 : i32
        %dma_start3A_799 = tpu.memref_slice %arg6[%dma_start3A_790, %dma_start3A_797, %dma_start3A_798] : memref<16x48x128xf32, #tpu.memory_space<vmem>> -> memref<1x48x128xf32, #tpu.memory_space<vmem>>
        %dma_start3A_800 = tpu.memref_squeeze %dma_start3A_799 : memref<1x48x128xf32, #tpu.memory_space<vmem>> -> memref<48x128xf32, #tpu.memory_space<vmem>>
        %dma_start3A_801 = arith.constant 0 : i32
        %dma_start3A_802 = tpu.memref_slice %arg3[%dma_start3A_801, %multiple_of3A_789] : memref<48x1000000xf32, #tpu.memory_space<hbm>> -> memref<48x128xf32, #tpu.memory_space<hbm>>
        tpu.enqueue_dma source(%dma_start3A_802 : memref<48x128xf32, #tpu.memory_space<hbm>>) target(%dma_start3A_800 : memref<48x128xf32, #tpu.memory_space<vmem>>) target_semaphore(%arg8 : memref<!tpu.dma_semaphore, #tpu.memory_space<semaphore_mem>>)
        %slice3A_803 = vector.extract_strided_slice %get3A_762 {offsets = [2], sizes = [1], strides = [1]} : vector<16xi32> to vector<1xi32>
        %squeeze3A_804 = vector.extract %slice3A_803[0] : i32 from vector<1xi32>
        %shift_right_arithmetic3A_805 = arith.constant 7 : i32
        %shift_right_arithmetic3A_806 = arith.shrsi %squeeze3A_804, %shift_right_arithmetic3A_805 : i32
        %mul3A_807 = arith.constant 128 : i32
        %mul3A_808 = arith.muli %shift_right_arithmetic3A_806, %mul3A_807 : i32
        %multiple_of3A_809 = tpu.assume_multiple %mul3A_808, 128 : i32
        %dma_start3A_810 = arith.constant 2 : i32
        %dma_start3A_811 = arith.constant 0 : i32
        %dma_start3A_812 = arith.constant 0 : i32
        %dma_start3A_813 = tpu.memref_slice %arg6[%dma_start3A_810, %dma_start3A_811, %dma_start3A_812] : memref<16x48x128xf32, #tpu.memory_space<vmem>> -> memref<1x48x128xf32, #tpu.memory_space<vmem>>
        %dma_start3A_814 = tpu.memref_squeeze %dma_start3A_813 : memref<1x48x128xf32, #tpu.memory_space<vmem>> -> memref<48x128xf32, #tpu.memory_space<vmem>>
        %dma_start3A_815 = arith.constant 0 : i32
        %dma_start3A_816 = tpu.memref_slice %arg3[%dma_start3A_815, %multiple_of3A_809] : memref<48x1000000xf32, #tpu.memory_space<hbm>> -> memref<48x128xf32, #tpu.memory_space<hbm>>
        %dma_start3A_817 = arith.constant 0 : i32
        %dma_start3A_818 = arith.constant 0 : i32
        %dma_start3A_819 = tpu.memref_slice %arg6[%dma_start3A_810, %dma_start3A_817, %dma_start3A_818] : memref<16x48x128xf32, #tpu.memory_space<vmem>> -> memref<1x48x128xf32, #tpu.memory_space<vmem>>
        %dma_start3A_820 = tpu.memref_squeeze %dma_start3A_819 : memref<1x48x128xf32, #tpu.memory_space<vmem>> -> memref<48x128xf32, #tpu.memory_space<vmem>>
        %dma_start3A_821 = arith.constant 0 : i32
        %dma_start3A_822 = tpu.memref_slice %arg3[%dma_start3A_821, %multiple_of3A_809] : memref<48x1000000xf32, #tpu.memory_space<hbm>> -> memref<48x128xf32, #tpu.memory_space<hbm>>
        tpu.enqueue_dma source(%dma_start3A_822 : memref<48x128xf32, #tpu.memory_space<hbm>>) target(%dma_start3A_820 : memref<48x128xf32, #tpu.memory_space<vmem>>) target_semaphore(%arg8 : memref<!tpu.dma_semaphore, #tpu.memory_space<semaphore_mem>>)
        %slice3A_823 = vector.extract_strided_slice %get3A_762 {offsets = [3], sizes = [1], strides = [1]} : vector<16xi32> to vector<1xi32>
        %squeeze3A_824 = vector.extract %slice3A_823[0] : i32 from vector<1xi32>
        %shift_right_arithmetic3A_825 = arith.constant 7 : i32
        %shift_right_arithmetic3A_826 = arith.shrsi %squeeze3A_824, %shift_right_arithmetic3A_825 : i32
        %mul3A_827 = arith.constant 128 : i32
        %mul3A_828 = arith.muli %shift_right_arithmetic3A_826, %mul3A_827 : i32
        %multiple_of3A_829 = tpu.assume_multiple %mul3A_828, 128 : i32
        %dma_start3A_830 = arith.constant 3 : i32
        %dma_start3A_831 = arith.constant 0 : i32
        %dma_start3A_832 = arith.constant 0 : i32
        %dma_start3A_833 = tpu.memref_slice %arg6[%dma_start3A_830, %dma_start3A_831, %dma_start3A_832] : memref<16x48x128xf32, #tpu.memory_space<vmem>> -> memref<1x48x128xf32, #tpu.memory_space<vmem>>
        %dma_start3A_834 = tpu.memref_squeeze %dma_start3A_833 : memref<1x48x128xf32, #tpu.memory_space<vmem>> -> memref<48x128xf32, #tpu.memory_space<vmem>>
        %dma_start3A_835 = arith.constant 0 : i32
        %dma_start3A_836 = tpu.memref_slice %arg3[%dma_start3A_835, %multiple_of3A_829] : memref<48x1000000xf32, #tpu.memory_space<hbm>> -> memref<48x128xf32, #tpu.memory_space<hbm>>
        %dma_start3A_837 = arith.constant 0 : i32
        %dma_start3A_838 = arith.constant 0 : i32
        %dma_start3A_839 = tpu.memref_slice %arg6[%dma_start3A_830, %dma_start3A_837, %dma_start3A_838] : memref<16x48x128xf32, #tpu.memory_space<vmem>> -> memref<1x48x128xf32, #tpu.memory_space<vmem>>
        %dma_start3A_840 = tpu.memref_squeeze %dma_start3A_839 : memref<1x48x128xf32, #tpu.memory_space<vmem>> -> memref<48x128xf32, #tpu.memory_space<vmem>>
        %dma_start3A_841 = arith.constant 0 : i32
        %dma_start3A_842 = tpu.memref_slice %arg3[%dma_start3A_841, %multiple_of3A_829] : memref<48x1000000xf32, #tpu.memory_space<hbm>> -> memref<48x128xf32, #tpu.memory_space<hbm>>
        tpu.enqueue_dma source(%dma_start3A_842 : memref<48x128xf32, #tpu.memory_space<hbm>>) target(%dma_start3A_840 : memref<48x128xf32, #tpu.memory_space<vmem>>) target_semaphore(%arg8 : memref<!tpu.dma_semaphore, #tpu.memory_space<semaphore_mem>>)
        %slice3A_843 = vector.extract_strided_slice %get3A_762 {offsets = [4], sizes = [1], strides = [1]} : vector<16xi32> to vector<1xi32>
        %squeeze3A_844 = vector.extract %slice3A_843[0] : i32 from vector<1xi32>
        %shift_right_arithmetic3A_845 = arith.constant 7 : i32
        %shift_right_arithmetic3A_846 = arith.shrsi %squeeze3A_844, %shift_right_arithmetic3A_845 : i32
        %mul3A_847 = arith.constant 128 : i32
        %mul3A_848 = arith.muli %shift_right_arithmetic3A_846, %mul3A_847 : i32
        %multiple_of3A_849 = tpu.assume_multiple %mul3A_848, 128 : i32
        %dma_start3A_850 = arith.constant 4 : i32
        %dma_start3A_851 = arith.constant 0 : i32
        %dma_start3A_852 = arith.constant 0 : i32
        %dma_start3A_853 = tpu.memref_slice %arg6[%dma_start3A_850, %dma_start3A_851, %dma_start3A_852] : memref<16x48x128xf32, #tpu.memory_space<vmem>> -> memref<1x48x128xf32, #tpu.memory_space<vmem>>
        %dma_start3A_854 = tpu.memref_squeeze %dma_start3A_853 : memref<1x48x128xf32, #tpu.memory_space<vmem>> -> memref<48x128xf32, #tpu.memory_space<vmem>>
        %dma_start3A_855 = arith.constant 0 : i32
        %dma_start3A_856 = tpu.memref_slice %arg3[%dma_start3A_855, %multiple_of3A_849] : memref<48x1000000xf32, #tpu.memory_space<hbm>> -> memref<48x128xf32, #tpu.memory_space<hbm>>
        %dma_start3A_857 = arith.constant 0 : i32
        %dma_start3A_858 = arith.constant 0 : i32
        %dma_start3A_859 = tpu.memref_slice %arg6[%dma_start3A_850, %dma_start3A_857, %dma_start3A_858] : memref<16x48x128xf32, #tpu.memory_space<vmem>> -> memref<1x48x128xf32, #tpu.memory_space<vmem>>
        %dma_start3A_860 = tpu.memref_squeeze %dma_start3A_859 : memref<1x48x128xf32, #tpu.memory_space<vmem>> -> memref<48x128xf32, #tpu.memory_space<vmem>>
        %dma_start3A_861 = arith.constant 0 : i32
        %dma_start3A_862 = tpu.memref_slice %arg3[%dma_start3A_861, %multiple_of3A_849] : memref<48x1000000xf32, #tpu.memory_space<hbm>> -> memref<48x128xf32, #tpu.memory_space<hbm>>
        tpu.enqueue_dma source(%dma_start3A_862 : memref<48x128xf32, #tpu.memory_space<hbm>>) target(%dma_start3A_860 : memref<48x128xf32, #tpu.memory_space<vmem>>) target_semaphore(%arg8 : memref<!tpu.dma_semaphore, #tpu.memory_space<semaphore_mem>>)
        %slice3A_863 = vector.extract_strided_slice %get3A_762 {offsets = [5], sizes = [1], strides = [1]} : vector<16xi32> to vector<1xi32>
        %squeeze3A_864 = vector.extract %slice3A_863[0] : i32 from vector<1xi32>
        %shift_right_arithmetic3A_865 = arith.constant 7 : i32
        %shift_right_arithmetic3A_866 = arith.shrsi %squeeze3A_864, %shift_right_arithmetic3A_865 : i32
        %mul3A_867 = arith.constant 128 : i32
        %mul3A_868 = arith.muli %shift_right_arithmetic3A_866, %mul3A_867 : i32
        %multiple_of3A_869 = tpu.assume_multiple %mul3A_868, 128 : i32
        %dma_start3A_870 = arith.constant 5 : i32
        %dma_start3A_871 = arith.constant 0 : i32
        %dma_start3A_872 = arith.constant 0 : i32
        %dma_start3A_873 = tpu.memref_slice %arg6[%dma_start3A_870, %dma_start3A_871, %dma_start3A_872] : memref<16x48x128xf32, #tpu.memory_space<vmem>> -> memref<1x48x128xf32, #tpu.memory_space<vmem>>
        %dma_start3A_874 = tpu.memref_squeeze %dma_start3A_873 : memref<1x48x128xf32, #tpu.memory_space<vmem>> -> memref<48x128xf32, #tpu.memory_space<vmem>>
        %dma_start3A_875 = arith.constant 0 : i32
        %dma_start3A_876 = tpu.memref_slice %arg3[%dma_start3A_875, %multiple_of3A_869] : memref<48x1000000xf32, #tpu.memory_space<hbm>> -> memref<48x128xf32, #tpu.memory_space<hbm>>
        %dma_start3A_877 = arith.constant 0 : i32
        %dma_start3A_878 = arith.constant 0 : i32
        %dma_start3A_879 = tpu.memref_slice %arg6[%dma_start3A_870, %dma_start3A_877, %dma_start3A_878] : memref<16x48x128xf32, #tpu.memory_space<vmem>> -> memref<1x48x128xf32, #tpu.memory_space<vmem>>
        %dma_start3A_880 = tpu.memref_squeeze %dma_start3A_879 : memref<1x48x128xf32, #tpu.memory_space<vmem>> -> memref<48x128xf32, #tpu.memory_space<vmem>>
        %dma_start3A_881 = arith.constant 0 : i32
        %dma_start3A_882 = tpu.memref_slice %arg3[%dma_start3A_881, %multiple_of3A_869] : memref<48x1000000xf32, #tpu.memory_space<hbm>> -> memref<48x128xf32, #tpu.memory_space<hbm>>
        tpu.enqueue_dma source(%dma_start3A_882 : memref<48x128xf32, #tpu.memory_space<hbm>>) target(%dma_start3A_880 : memref<48x128xf32, #tpu.memory_space<vmem>>) target_semaphore(%arg8 : memref<!tpu.dma_semaphore, #tpu.memory_space<semaphore_mem>>)
        %slice3A_883 = vector.extract_strided_slice %get3A_762 {offsets = [6], sizes = [1], strides = [1]} : vector<16xi32> to vector<1xi32>
        %squeeze3A_884 = vector.extract %slice3A_883[0] : i32 from vector<1xi32>
        %shift_right_arithmetic3A_885 = arith.constant 7 : i32
        %shift_right_arithmetic3A_886 = arith.shrsi %squeeze3A_884, %shift_right_arithmetic3A_885 : i32
        %mul3A_887 = arith.constant 128 : i32
        %mul3A_888 = arith.muli %shift_right_arithmetic3A_886, %mul3A_887 : i32
        %multiple_of3A_889 = tpu.assume_multiple %mul3A_888, 128 : i32
        %dma_start3A_890 = arith.constant 6 : i32
        %dma_start3A_891 = arith.constant 0 : i32
        %dma_start3A_892 = arith.constant 0 : i32
        %dma_start3A_893 = tpu.memref_slice %arg6[%dma_start3A_890, %dma_start3A_891, %dma_start3A_892] : memref<16x48x128xf32, #tpu.memory_space<vmem>> -> memref<1x48x128xf32, #tpu.memory_space<vmem>>
        %dma_start3A_894 = tpu.memref_squeeze %dma_start3A_893 : memref<1x48x128xf32, #tpu.memory_space<vmem>> -> memref<48x128xf32, #tpu.memory_space<vmem>>
        %dma_start3A_895 = arith.constant 0 : i32
        %dma_start3A_896 = tpu.memref_slice %arg3[%dma_start3A_895, %multiple_of3A_889] : memref<48x1000000xf32, #tpu.memory_space<hbm>> -> memref<48x128xf32, #tpu.memory_space<hbm>>
        %dma_start3A_897 = arith.constant 0 : i32
        %dma_start3A_898 = arith.constant 0 : i32
        %dma_start3A_899 = tpu.memref_slice %arg6[%dma_start3A_890, %dma_start3A_897, %dma_start3A_898] : memref<16x48x128xf32, #tpu.memory_space<vmem>> -> memref<1x48x128xf32, #tpu.memory_space<vmem>>
        %dma_start3A_900 = tpu.memref_squeeze %dma_start3A_899 : memref<1x48x128xf32, #tpu.memory_space<vmem>> -> memref<48x128xf32, #tpu.memory_space<vmem>>
        %dma_start3A_901 = arith.constant 0 : i32
        %dma_start3A_902 = tpu.memref_slice %arg3[%dma_start3A_901, %multiple_of3A_889] : memref<48x1000000xf32, #tpu.memory_space<hbm>> -> memref<48x128xf32, #tpu.memory_space<hbm>>
        tpu.enqueue_dma source(%dma_start3A_902 : memref<48x128xf32, #tpu.memory_space<hbm>>) target(%dma_start3A_900 : memref<48x128xf32, #tpu.memory_space<vmem>>) target_semaphore(%arg8 : memref<!tpu.dma_semaphore, #tpu.memory_space<semaphore_mem>>)
        %slice3A_903 = vector.extract_strided_slice %get3A_762 {offsets = [7], sizes = [1], strides = [1]} : vector<16xi32> to vector<1xi32>
        %squeeze3A_904 = vector.extract %slice3A_903[0] : i32 from vector<1xi32>
        %shift_right_arithmetic3A_905 = arith.constant 7 : i32
        %shift_right_arithmetic3A_906 = arith.shrsi %squeeze3A_904, %shift_right_arithmetic3A_905 : i32
        %mul3A_907 = arith.constant 128 : i32
        %mul3A_908 = arith.muli %shift_right_arithmetic3A_906, %mul3A_907 : i32
        %multiple_of3A_909 = tpu.assume_multiple %mul3A_908, 128 : i32
        %dma_start3A_910 = arith.constant 7 : i32
        %dma_start3A_911 = arith.constant 0 : i32
        %dma_start3A_912 = arith.constant 0 : i32
        %dma_start3A_913 = tpu.memref_slice %arg6[%dma_start3A_910, %dma_start3A_911, %dma_start3A_912] : memref<16x48x128xf32, #tpu.memory_space<vmem>> -> memref<1x48x128xf32, #tpu.memory_space<vmem>>
        %dma_start3A_914 = tpu.memref_squeeze %dma_start3A_913 : memref<1x48x128xf32, #tpu.memory_space<vmem>> -> memref<48x128xf32, #tpu.memory_space<vmem>>
        %dma_start3A_915 = arith.constant 0 : i32
        %dma_start3A_916 = tpu.memref_slice %arg3[%dma_start3A_915, %multiple_of3A_909] : memref<48x1000000xf32, #tpu.memory_space<hbm>> -> memref<48x128xf32, #tpu.memory_space<hbm>>
        %dma_start3A_917 = arith.constant 0 : i32
        %dma_start3A_918 = arith.constant 0 : i32
        %dma_start3A_919 = tpu.memref_slice %arg6[%dma_start3A_910, %dma_start3A_917, %dma_start3A_918] : memref<16x48x128xf32, #tpu.memory_space<vmem>> -> memref<1x48x128xf32, #tpu.memory_space<vmem>>
        %dma_start3A_920 = tpu.memref_squeeze %dma_start3A_919 : memref<1x48x128xf32, #tpu.memory_space<vmem>> -> memref<48x128xf32, #tpu.memory_space<vmem>>
        %dma_start3A_921 = arith.constant 0 : i32
        %dma_start3A_922 = tpu.memref_slice %arg3[%dma_start3A_921, %multiple_of3A_909] : memref<48x1000000xf32, #tpu.memory_space<hbm>> -> memref<48x128xf32, #tpu.memory_space<hbm>>
        tpu.enqueue_dma source(%dma_start3A_922 : memref<48x128xf32, #tpu.memory_space<hbm>>) target(%dma_start3A_920 : memref<48x128xf32, #tpu.memory_space<vmem>>) target_semaphore(%arg8 : memref<!tpu.dma_semaphore, #tpu.memory_space<semaphore_mem>>)
      } else {
      }
      %dma_wait3A_543 = arith.constant 8 : i32
      %dma_wait3A_544 = arith.constant 0 : i32
      %dma_wait3A_545 = arith.constant 0 : i32
      %dma_wait3A_546 = tpu.memref_slice %arg6[%dma_wait3A_543, %dma_wait3A_544, %dma_wait3A_545] : memref<16x48x128xf32, #tpu.memory_space<vmem>> -> memref<8x48x128xf32, #tpu.memory_space<vmem>>
      %dma_wait3A_547 = arith.constant 0 : i32
      %dma_wait3A_548 = arith.constant 0 : i32
      %dma_wait3A_549 = tpu.memref_slice %arg3[%dma_wait3A_547, %dma_wait3A_548] : memref<48x1000000xf32, #tpu.memory_space<hbm>> -> memref<48x1024xf32, #tpu.memory_space<hbm>>
      %dma_wait3A_550 = arith.constant 8 : i32
      %dma_wait3A_551 = arith.constant 0 : i32
      %dma_wait3A_552 = arith.constant 0 : i32
      %dma_wait3A_553 = tpu.memref_slice %arg6[%dma_wait3A_550, %dma_wait3A_551, %dma_wait3A_552] : memref<16x48x128xf32, #tpu.memory_space<vmem>> -> memref<8x48x128xf32, #tpu.memory_space<vmem>>
      %dma_wait3A_554 = arith.constant 0 : i32
      %dma_wait3A_555 = arith.constant 0 : i32
      %dma_wait3A_556 = tpu.memref_slice %arg3[%dma_wait3A_554, %dma_wait3A_555] : memref<48x1000000xf32, #tpu.memory_space<hbm>> -> memref<48x1024xf32, #tpu.memory_space<hbm>>
      tpu.wait_dma2 semaphore(%arg9 : memref<!tpu.dma_semaphore, #tpu.memory_space<semaphore_mem>>) src(%dma_wait3A_556 : memref<48x1024xf32, #tpu.memory_space<hbm>>) dst(%dma_wait3A_553 : memref<8x48x128xf32, #tpu.memory_space<vmem>>)
      %and3A_557 = arith.constant 127 : i32
      %and3A_558 = vector.broadcast %and3A_557 : i32 to vector<16xi32>
      %and3A_559 = arith.andi %get3A_334, %and3A_558 : vector<16xi32>
      %mul3A_560 = arith.constant 16 : i32
      %mul3A_561 = arith.muli %scan3A_330, %mul3A_560 : i32
      %add3A_562 = arith.constant 8 : i32
      %add3A_563 = arith.addi %mul3A_561, %add3A_562 : i32
      %add3A_564 = arith.constant 0 : i32
      %add3A_565 = arith.addi %add3A_563, %add3A_564 : i32
      %broadcast_in_dim3A_566 = arith.constant 8 : i32
      %broadcast_in_dim3A_567 = vector.broadcast %broadcast_in_dim3A_566 : i32 to vector<16xi32>
      %slice3A_568 = vector.extract_strided_slice %and3A_559 {offsets = [8], sizes = [1], strides = [1]} : vector<16xi32> to vector<1xi32>
      %squeeze3A_569 = vector.extract %slice3A_568[0] : i32 from vector<1xi32>
      %broadcast_in_dim3A_570 = vector.broadcast %squeeze3A_569 : i32 to vector<16xi32>
      %broadcast_in_dim3A_571 = vector.broadcast %add3A_565 : i32 to vector<16xi32>
      %add3A_572 = arith.constant 0 : i32
      %add3A_573 = vector.broadcast %add3A_572 : i32 to vector<16xi32>
      %add3A_574 = arith.addi %iota3A, %add3A_573 : vector<16xi32>
      %gather3A_575 = tpu.vector_load_idx %arg6[%broadcast_in_dim3A_567, %add3A_574, %broadcast_in_dim3A_570] : memref<16x48x128xf32, #tpu.memory_space<vmem>>[vector<16xi32>, vector<16xi32>, vector<16xi32>], vector<16xf32>,
      tpu.vector_store_idx %arg7[%add3A_574, %broadcast_in_dim3A_571], %gather3A_575 : memref<48x512xf32, #tpu.memory_space<vmem>>[vector<16xi32>, vector<16xi32>], vector<16xf32>,
      %add3A_576 = arith.constant 16 : i32
      %add3A_577 = vector.broadcast %add3A_576 : i32 to vector<16xi32>
      %add3A_578 = arith.addi %iota3A, %add3A_577 : vector<16xi32>
      %gather3A_579 = tpu.vector_load_idx %arg6[%broadcast_in_dim3A_567, %add3A_578, %broadcast_in_dim3A_570] : memref<16x48x128xf32, #tpu.memory_space<vmem>>[vector<16xi32>, vector<16xi32>, vector<16xi32>], vector<16xf32>,
      tpu.vector_store_idx %arg7[%add3A_578, %broadcast_in_dim3A_571], %gather3A_579 : memref<48x512xf32, #tpu.memory_space<vmem>>[vector<16xi32>, vector<16xi32>], vector<16xf32>,
      %add3A_580 = arith.constant 32 : i32
      %add3A_581 = vector.broadcast %add3A_580 : i32 to vector<16xi32>
      %add3A_582 = arith.addi %iota3A, %add3A_581 : vector<16xi32>
      %gather3A_583 = tpu.vector_load_idx %arg6[%broadcast_in_dim3A_567, %add3A_582, %broadcast_in_dim3A_570] : memref<16x48x128xf32, #tpu.memory_space<vmem>>[vector<16xi32>, vector<16xi32>, vector<16xi32>], vector<16xf32>,
      tpu.vector_store_idx %arg7[%add3A_582, %broadcast_in_dim3A_571], %gather3A_583 : memref<48x512xf32, #tpu.memory_space<vmem>>[vector<16xi32>, vector<16xi32>], vector<16xf32>,
      %mul3A_584 = arith.constant 16 : i32
      %mul3A_585 = arith.muli %scan3A_330, %mul3A_584 : i32
      %add3A_586 = arith.constant 8 : i32
      %add3A_587 = arith.addi %mul3A_585, %add3A_586 : i32
      %add3A_588 = arith.constant 1 : i32
      %add3A_589 = arith.addi %add3A_587, %add3A_588 : i32
      %broadcast_in_dim3A_590 = arith.constant 9 : i32
      %broadcast_in_dim3A_591 = vector.broadcast %broadcast_in_dim3A_590 : i32 to vector<16xi32>
      %slice3A_592 = vector.extract_strided_slice %and3A_559 {offsets = [9], sizes = [1], strides = [1]} : vector<16xi32> to vector<1xi32>
      %squeeze3A_593 = vector.extract %slice3A_592[0] : i32 from vector<1xi32>
      %broadcast_in_dim3A_594 = vector.broadcast %squeeze3A_593 : i32 to vector<16xi32>
      %broadcast_in_dim3A_595 = vector.broadcast %add3A_589 : i32 to vector<16xi32>
      %add3A_596 = arith.constant 0 : i32
      %add3A_597 = vector.broadcast %add3A_596 : i32 to vector<16xi32>
      %add3A_598 = arith.addi %iota3A, %add3A_597 : vector<16xi32>
      %gather3A_599 = tpu.vector_load_idx %arg6[%broadcast_in_dim3A_591, %add3A_598, %broadcast_in_dim3A_594] : memref<16x48x128xf32, #tpu.memory_space<vmem>>[vector<16xi32>, vector<16xi32>, vector<16xi32>], vector<16xf32>,
      tpu.vector_store_idx %arg7[%add3A_598, %broadcast_in_dim3A_595], %gather3A_599 : memref<48x512xf32, #tpu.memory_space<vmem>>[vector<16xi32>, vector<16xi32>], vector<16xf32>,
      %add3A_600 = arith.constant 16 : i32
      %add3A_601 = vector.broadcast %add3A_600 : i32 to vector<16xi32>
      %add3A_602 = arith.addi %iota3A, %add3A_601 : vector<16xi32>
      %gather3A_603 = tpu.vector_load_idx %arg6[%broadcast_in_dim3A_591, %add3A_602, %broadcast_in_dim3A_594] : memref<16x48x128xf32, #tpu.memory_space<vmem>>[vector<16xi32>, vector<16xi32>, vector<16xi32>], vector<16xf32>,
      tpu.vector_store_idx %arg7[%add3A_602, %broadcast_in_dim3A_595], %gather3A_603 : memref<48x512xf32, #tpu.memory_space<vmem>>[vector<16xi32>, vector<16xi32>], vector<16xf32>,
      %add3A_604 = arith.constant 32 : i32
      %add3A_605 = vector.broadcast %add3A_604 : i32 to vector<16xi32>
      %add3A_606 = arith.addi %iota3A, %add3A_605 : vector<16xi32>
      %gather3A_607 = tpu.vector_load_idx %arg6[%broadcast_in_dim3A_591, %add3A_606, %broadcast_in_dim3A_594] : memref<16x48x128xf32, #tpu.memory_space<vmem>>[vector<16xi32>, vector<16xi32>, vector<16xi32>], vector<16xf32>,
      tpu.vector_store_idx %arg7[%add3A_606, %broadcast_in_dim3A_595], %gather3A_607 : memref<48x512xf32, #tpu.memory_space<vmem>>[vector<16xi32>, vector<16xi32>], vector<16xf32>,
      %mul3A_608 = arith.constant 16 : i32
      %mul3A_609 = arith.muli %scan3A_330, %mul3A_608 : i32
      %add3A_610 = arith.constant 8 : i32
      %add3A_611 = arith.addi %mul3A_609, %add3A_610 : i32
      %add3A_612 = arith.constant 2 : i32
      %add3A_613 = arith.addi %add3A_611, %add3A_612 : i32
      %broadcast_in_dim3A_614 = arith.constant 10 : i32
      %broadcast_in_dim3A_615 = vector.broadcast %broadcast_in_dim3A_614 : i32 to vector<16xi32>
      %slice3A_616 = vector.extract_strided_slice %and3A_559 {offsets = [10], sizes = [1], strides = [1]} : vector<16xi32> to vector<1xi32>
      %squeeze3A_617 = vector.extract %slice3A_616[0] : i32 from vector<1xi32>
      %broadcast_in_dim3A_618 = vector.broadcast %squeeze3A_617 : i32 to vector<16xi32>
      %broadcast_in_dim3A_619 = vector.broadcast %add3A_613 : i32 to vector<16xi32>
      %add3A_620 = arith.constant 0 : i32
      %add3A_621 = vector.broadcast %add3A_620 : i32 to vector<16xi32>
      %add3A_622 = arith.addi %iota3A, %add3A_621 : vector<16xi32>
      %gather3A_623 = tpu.vector_load_idx %arg6[%broadcast_in_dim3A_615, %add3A_622, %broadcast_in_dim3A_618] : memref<16x48x128xf32, #tpu.memory_space<vmem>>[vector<16xi32>, vector<16xi32>, vector<16xi32>], vector<16xf32>,
      tpu.vector_store_idx %arg7[%add3A_622, %broadcast_in_dim3A_619], %gather3A_623 : memref<48x512xf32, #tpu.memory_space<vmem>>[vector<16xi32>, vector<16xi32>], vector<16xf32>,
      %add3A_624 = arith.constant 16 : i32
      %add3A_625 = vector.broadcast %add3A_624 : i32 to vector<16xi32>
      %add3A_626 = arith.addi %iota3A, %add3A_625 : vector<16xi32>
      %gather3A_627 = tpu.vector_load_idx %arg6[%broadcast_in_dim3A_615, %add3A_626, %broadcast_in_dim3A_618] : memref<16x48x128xf32, #tpu.memory_space<vmem>>[vector<16xi32>, vector<16xi32>, vector<16xi32>], vector<16xf32>,
      tpu.vector_store_idx %arg7[%add3A_626, %broadcast_in_dim3A_619], %gather3A_627 : memref<48x512xf32, #tpu.memory_space<vmem>>[vector<16xi32>, vector<16xi32>], vector<16xf32>,
      %add3A_628 = arith.constant 32 : i32
      %add3A_629 = vector.broadcast %add3A_628 : i32 to vector<16xi32>
      %add3A_630 = arith.addi %iota3A, %add3A_629 : vector<16xi32>
      %gather3A_631 = tpu.vector_load_idx %arg6[%broadcast_in_dim3A_615, %add3A_630, %broadcast_in_dim3A_618] : memref<16x48x128xf32, #tpu.memory_space<vmem>>[vector<16xi32>, vector<16xi32>, vector<16xi32>], vector<16xf32>,
      tpu.vector_store_idx %arg7[%add3A_630, %broadcast_in_dim3A_619], %gather3A_631 : memref<48x512xf32, #tpu.memory_space<vmem>>[vector<16xi32>, vector<16xi32>], vector<16xf32>,
      %mul3A_632 = arith.constant 16 : i32
      %mul3A_633 = arith.muli %scan3A_330, %mul3A_632 : i32
      %add3A_634 = arith.constant 8 : i32
      %add3A_635 = arith.addi %mul3A_633, %add3A_634 : i32
      %add3A_636 = arith.constant 3 : i32
      %add3A_637 = arith.addi %add3A_635, %add3A_636 : i32
      %broadcast_in_dim3A_638 = arith.constant 11 : i32
      %broadcast_in_dim3A_639 = vector.broadcast %broadcast_in_dim3A_638 : i32 to vector<16xi32>
      %slice3A_640 = vector.extract_strided_slice %and3A_559 {offsets = [11], sizes = [1], strides = [1]} : vector<16xi32> to vector<1xi32>
      %squeeze3A_641 = vector.extract %slice3A_640[0] : i32 from vector<1xi32>
      %broadcast_in_dim3A_642 = vector.broadcast %squeeze3A_641 : i32 to vector<16xi32>
      %broadcast_in_dim3A_643 = vector.broadcast %add3A_637 : i32 to vector<16xi32>
      %add3A_644 = arith.constant 0 : i32
      %add3A_645 = vector.broadcast %add3A_644 : i32 to vector<16xi32>
      %add3A_646 = arith.addi %iota3A, %add3A_645 : vector<16xi32>
      %gather3A_647 = tpu.vector_load_idx %arg6[%broadcast_in_dim3A_639, %add3A_646, %broadcast_in_dim3A_642] : memref<16x48x128xf32, #tpu.memory_space<vmem>>[vector<16xi32>, vector<16xi32>, vector<16xi32>], vector<16xf32>,
      tpu.vector_store_idx %arg7[%add3A_646, %broadcast_in_dim3A_643], %gather3A_647 : memref<48x512xf32, #tpu.memory_space<vmem>>[vector<16xi32>, vector<16xi32>], vector<16xf32>,
      %add3A_648 = arith.constant 16 : i32
      %add3A_649 = vector.broadcast %add3A_648 : i32 to vector<16xi32>
      %add3A_650 = arith.addi %iota3A, %add3A_649 : vector<16xi32>
      %gather3A_651 = tpu.vector_load_idx %arg6[%broadcast_in_dim3A_639, %add3A_650, %broadcast_in_dim3A_642] : memref<16x48x128xf32, #tpu.memory_space<vmem>>[vector<16xi32>, vector<16xi32>, vector<16xi32>], vector<16xf32>,
      tpu.vector_store_idx %arg7[%add3A_650, %broadcast_in_dim3A_643], %gather3A_651 : memref<48x512xf32, #tpu.memory_space<vmem>>[vector<16xi32>, vector<16xi32>], vector<16xf32>,
      %add3A_652 = arith.constant 32 : i32
      %add3A_653 = vector.broadcast %add3A_652 : i32 to vector<16xi32>
      %add3A_654 = arith.addi %iota3A, %add3A_653 : vector<16xi32>
      %gather3A_655 = tpu.vector_load_idx %arg6[%broadcast_in_dim3A_639, %add3A_654, %broadcast_in_dim3A_642] : memref<16x48x128xf32, #tpu.memory_space<vmem>>[vector<16xi32>, vector<16xi32>, vector<16xi32>], vector<16xf32>,
      tpu.vector_store_idx %arg7[%add3A_654, %broadcast_in_dim3A_643], %gather3A_655 : memref<48x512xf32, #tpu.memory_space<vmem>>[vector<16xi32>, vector<16xi32>], vector<16xf32>,
      %mul3A_656 = arith.constant 16 : i32
      %mul3A_657 = arith.muli %scan3A_330, %mul3A_656 : i32
      %add3A_658 = arith.constant 8 : i32
      %add3A_659 = arith.addi %mul3A_657, %add3A_658 : i32
      %add3A_660 = arith.constant 4 : i32
      %add3A_661 = arith.addi %add3A_659, %add3A_660 : i32
      %broadcast_in_dim3A_662 = arith.constant 12 : i32
      %broadcast_in_dim3A_663 = vector.broadcast %broadcast_in_dim3A_662 : i32 to vector<16xi32>
      %slice3A_664 = vector.extract_strided_slice %and3A_559 {offsets = [12], sizes = [1], strides = [1]} : vector<16xi32> to vector<1xi32>
      %squeeze3A_665 = vector.extract %slice3A_664[0] : i32 from vector<1xi32>
      %broadcast_in_dim3A_666 = vector.broadcast %squeeze3A_665 : i32 to vector<16xi32>
      %broadcast_in_dim3A_667 = vector.broadcast %add3A_661 : i32 to vector<16xi32>
      %add3A_668 = arith.constant 0 : i32
      %add3A_669 = vector.broadcast %add3A_668 : i32 to vector<16xi32>
      %add3A_670 = arith.addi %iota3A, %add3A_669 : vector<16xi32>
      %gather3A_671 = tpu.vector_load_idx %arg6[%broadcast_in_dim3A_663, %add3A_670, %broadcast_in_dim3A_666] : memref<16x48x128xf32, #tpu.memory_space<vmem>>[vector<16xi32>, vector<16xi32>, vector<16xi32>], vector<16xf32>,
      tpu.vector_store_idx %arg7[%add3A_670, %broadcast_in_dim3A_667], %gather3A_671 : memref<48x512xf32, #tpu.memory_space<vmem>>[vector<16xi32>, vector<16xi32>], vector<16xf32>,
      %add3A_672 = arith.constant 16 : i32
      %add3A_673 = vector.broadcast %add3A_672 : i32 to vector<16xi32>
      %add3A_674 = arith.addi %iota3A, %add3A_673 : vector<16xi32>
      %gather3A_675 = tpu.vector_load_idx %arg6[%broadcast_in_dim3A_663, %add3A_674, %broadcast_in_dim3A_666] : memref<16x48x128xf32, #tpu.memory_space<vmem>>[vector<16xi32>, vector<16xi32>, vector<16xi32>], vector<16xf32>,
      tpu.vector_store_idx %arg7[%add3A_674, %broadcast_in_dim3A_667], %gather3A_675 : memref<48x512xf32, #tpu.memory_space<vmem>>[vector<16xi32>, vector<16xi32>], vector<16xf32>,
      %add3A_676 = arith.constant 32 : i32
      %add3A_677 = vector.broadcast %add3A_676 : i32 to vector<16xi32>
      %add3A_678 = arith.addi %iota3A, %add3A_677 : vector<16xi32>
      %gather3A_679 = tpu.vector_load_idx %arg6[%broadcast_in_dim3A_663, %add3A_678, %broadcast_in_dim3A_666] : memref<16x48x128xf32, #tpu.memory_space<vmem>>[vector<16xi32>, vector<16xi32>, vector<16xi32>], vector<16xf32>,
      tpu.vector_store_idx %arg7[%add3A_678, %broadcast_in_dim3A_667], %gather3A_679 : memref<48x512xf32, #tpu.memory_space<vmem>>[vector<16xi32>, vector<16xi32>], vector<16xf32>,
      %mul3A_680 = arith.constant 16 : i32
      %mul3A_681 = arith.muli %scan3A_330, %mul3A_680 : i32
      %add3A_682 = arith.constant 8 : i32
      %add3A_683 = arith.addi %mul3A_681, %add3A_682 : i32
      %add3A_684 = arith.constant 5 : i32
      %add3A_685 = arith.addi %add3A_683, %add3A_684 : i32
      %broadcast_in_dim3A_686 = arith.constant 13 : i32
      %broadcast_in_dim3A_687 = vector.broadcast %broadcast_in_dim3A_686 : i32 to vector<16xi32>
      %slice3A_688 = vector.extract_strided_slice %and3A_559 {offsets = [13], sizes = [1], strides = [1]} : vector<16xi32> to vector<1xi32>
      %squeeze3A_689 = vector.extract %slice3A_688[0] : i32 from vector<1xi32>
      %broadcast_in_dim3A_690 = vector.broadcast %squeeze3A_689 : i32 to vector<16xi32>
      %broadcast_in_dim3A_691 = vector.broadcast %add3A_685 : i32 to vector<16xi32>
      %add3A_692 = arith.constant 0 : i32
      %add3A_693 = vector.broadcast %add3A_692 : i32 to vector<16xi32>
      %add3A_694 = arith.addi %iota3A, %add3A_693 : vector<16xi32>
      %gather3A_695 = tpu.vector_load_idx %arg6[%broadcast_in_dim3A_687, %add3A_694, %broadcast_in_dim3A_690] : memref<16x48x128xf32, #tpu.memory_space<vmem>>[vector<16xi32>, vector<16xi32>, vector<16xi32>], vector<16xf32>,
      tpu.vector_store_idx %arg7[%add3A_694, %broadcast_in_dim3A_691], %gather3A_695 : memref<48x512xf32, #tpu.memory_space<vmem>>[vector<16xi32>, vector<16xi32>], vector<16xf32>,
      %add3A_696 = arith.constant 16 : i32
      %add3A_697 = vector.broadcast %add3A_696 : i32 to vector<16xi32>
      %add3A_698 = arith.addi %iota3A, %add3A_697 : vector<16xi32>
      %gather3A_699 = tpu.vector_load_idx %arg6[%broadcast_in_dim3A_687, %add3A_698, %broadcast_in_dim3A_690] : memref<16x48x128xf32, #tpu.memory_space<vmem>>[vector<16xi32>, vector<16xi32>, vector<16xi32>], vector<16xf32>,
      tpu.vector_store_idx %arg7[%add3A_698, %broadcast_in_dim3A_691], %gather3A_699 : memref<48x512xf32, #tpu.memory_space<vmem>>[vector<16xi32>, vector<16xi32>], vector<16xf32>,
      %add3A_700 = arith.constant 32 : i32
      %add3A_701 = vector.broadcast %add3A_700 : i32 to vector<16xi32>
      %add3A_702 = arith.addi %iota3A, %add3A_701 : vector<16xi32>
      %gather3A_703 = tpu.vector_load_idx %arg6[%broadcast_in_dim3A_687, %add3A_702, %broadcast_in_dim3A_690] : memref<16x48x128xf32, #tpu.memory_space<vmem>>[vector<16xi32>, vector<16xi32>, vector<16xi32>], vector<16xf32>,
      tpu.vector_store_idx %arg7[%add3A_702, %broadcast_in_dim3A_691], %gather3A_703 : memref<48x512xf32, #tpu.memory_space<vmem>>[vector<16xi32>, vector<16xi32>], vector<16xf32>,
      %mul3A_704 = arith.constant 16 : i32
      %mul3A_705 = arith.muli %scan3A_330, %mul3A_704 : i32
      %add3A_706 = arith.constant 8 : i32
      %add3A_707 = arith.addi %mul3A_705, %add3A_706 : i32
      %add3A_708 = arith.constant 6 : i32
      %add3A_709 = arith.addi %add3A_707, %add3A_708 : i32
      %broadcast_in_dim3A_710 = arith.constant 14 : i32
      %broadcast_in_dim3A_711 = vector.broadcast %broadcast_in_dim3A_710 : i32 to vector<16xi32>
      %slice3A_712 = vector.extract_strided_slice %and3A_559 {offsets = [14], sizes = [1], strides = [1]} : vector<16xi32> to vector<1xi32>
      %squeeze3A_713 = vector.extract %slice3A_712[0] : i32 from vector<1xi32>
      %broadcast_in_dim3A_714 = vector.broadcast %squeeze3A_713 : i32 to vector<16xi32>
      %broadcast_in_dim3A_715 = vector.broadcast %add3A_709 : i32 to vector<16xi32>
      %add3A_716 = arith.constant 0 : i32
      %add3A_717 = vector.broadcast %add3A_716 : i32 to vector<16xi32>
      %add3A_718 = arith.addi %iota3A, %add3A_717 : vector<16xi32>
      %gather3A_719 = tpu.vector_load_idx %arg6[%broadcast_in_dim3A_711, %add3A_718, %broadcast_in_dim3A_714] : memref<16x48x128xf32, #tpu.memory_space<vmem>>[vector<16xi32>, vector<16xi32>, vector<16xi32>], vector<16xf32>,
      tpu.vector_store_idx %arg7[%add3A_718, %broadcast_in_dim3A_715], %gather3A_719 : memref<48x512xf32, #tpu.memory_space<vmem>>[vector<16xi32>, vector<16xi32>], vector<16xf32>,
      %add3A_720 = arith.constant 16 : i32
      %add3A_721 = vector.broadcast %add3A_720 : i32 to vector<16xi32>
      %add3A_722 = arith.addi %iota3A, %add3A_721 : vector<16xi32>
      %gather3A_723 = tpu.vector_load_idx %arg6[%broadcast_in_dim3A_711, %add3A_722, %broadcast_in_dim3A_714] : memref<16x48x128xf32, #tpu.memory_space<vmem>>[vector<16xi32>, vector<16xi32>, vector<16xi32>], vector<16xf32>,
      tpu.vector_store_idx %arg7[%add3A_722, %broadcast_in_dim3A_715], %gather3A_723 : memref<48x512xf32, #tpu.memory_space<vmem>>[vector<16xi32>, vector<16xi32>], vector<16xf32>,
      %add3A_724 = arith.constant 32 : i32
      %add3A_725 = vector.broadcast %add3A_724 : i32 to vector<16xi32>
      %add3A_726 = arith.addi %iota3A, %add3A_725 : vector<16xi32>
      %gather3A_727 = tpu.vector_load_idx %arg6[%broadcast_in_dim3A_711, %add3A_726, %broadcast_in_dim3A_714] : memref<16x48x128xf32, #tpu.memory_space<vmem>>[vector<16xi32>, vector<16xi32>, vector<16xi32>], vector<16xf32>,
      tpu.vector_store_idx %arg7[%add3A_726, %broadcast_in_dim3A_715], %gather3A_727 : memref<48x512xf32, #tpu.memory_space<vmem>>[vector<16xi32>, vector<16xi32>], vector<16xf32>,
      %mul3A_728 = arith.constant 16 : i32
      %mul3A_729 = arith.muli %scan3A_330, %mul3A_728 : i32
      %add3A_730 = arith.constant 8 : i32
      %add3A_731 = arith.addi %mul3A_729, %add3A_730 : i32
      %add3A_732 = arith.constant 7 : i32
      %add3A_733 = arith.addi %add3A_731, %add3A_732 : i32
      %broadcast_in_dim3A_734 = arith.constant 15 : i32
      %broadcast_in_dim3A_735 = vector.broadcast %broadcast_in_dim3A_734 : i32 to vector<16xi32>
      %slice3A_736 = vector.extract_strided_slice %and3A_559 {offsets = [15], sizes = [1], strides = [1]} : vector<16xi32> to vector<1xi32>
      %squeeze3A_737 = vector.extract %slice3A_736[0] : i32 from vector<1xi32>
      %broadcast_in_dim3A_738 = vector.broadcast %squeeze3A_737 : i32 to vector<16xi32>
      %broadcast_in_dim3A_739 = vector.broadcast %add3A_733 : i32 to vector<16xi32>
      %add3A_740 = arith.constant 0 : i32
      %add3A_741 = vector.broadcast %add3A_740 : i32 to vector<16xi32>
      %add3A_742 = arith.addi %iota3A, %add3A_741 : vector<16xi32>
      %gather3A_743 = tpu.vector_load_idx %arg6[%broadcast_in_dim3A_735, %add3A_742, %broadcast_in_dim3A_738] : memref<16x48x128xf32, #tpu.memory_space<vmem>>[vector<16xi32>, vector<16xi32>, vector<16xi32>], vector<16xf32>,
      tpu.vector_store_idx %arg7[%add3A_742, %broadcast_in_dim3A_739], %gather3A_743 : memref<48x512xf32, #tpu.memory_space<vmem>>[vector<16xi32>, vector<16xi32>], vector<16xf32>,
      %add3A_744 = arith.constant 16 : i32
      %add3A_745 = vector.broadcast %add3A_744 : i32 to vector<16xi32>
      %add3A_746 = arith.addi %iota3A, %add3A_745 : vector<16xi32>
      %gather3A_747 = tpu.vector_load_idx %arg6[%broadcast_in_dim3A_735, %add3A_746, %broadcast_in_dim3A_738] : memref<16x48x128xf32, #tpu.memory_space<vmem>>[vector<16xi32>, vector<16xi32>, vector<16xi32>], vector<16xf32>,
      tpu.vector_store_idx %arg7[%add3A_746, %broadcast_in_dim3A_739], %gather3A_747 : memref<48x512xf32, #tpu.memory_space<vmem>>[vector<16xi32>, vector<16xi32>], vector<16xf32>,
      %add3A_748 = arith.constant 32 : i32
      %add3A_749 = vector.broadcast %add3A_748 : i32 to vector<16xi32>
      %add3A_750 = arith.addi %iota3A, %add3A_749 : vector<16xi32>
      %gather3A_751 = tpu.vector_load_idx %arg6[%broadcast_in_dim3A_735, %add3A_750, %broadcast_in_dim3A_738] : memref<16x48x128xf32, #tpu.memory_space<vmem>>[vector<16xi32>, vector<16xi32>, vector<16xi32>], vector<16xf32>,
      tpu.vector_store_idx %arg7[%add3A_750, %broadcast_in_dim3A_739], %gather3A_751 : memref<48x512xf32, #tpu.memory_space<vmem>>[vector<16xi32>, vector<16xi32>], vector<16xf32>,
      %lt3A_752 = arith.constant 31 : i32
      %lt3A_753 = arith.cmpi slt, %scan3A_330, %lt3A_752 : i32
      %convert_element_type3A_754 = arith.extui %lt3A_753 : i1 to i32
      %cond3A_755 = arith.constant 0 : i32
      %cond3A_756 = arith.cmpi ne, %convert_element_type3A_754, %cond3A_755 : i32
      scf.if %cond3A_756 {
        %add3A_757 = arith.constant 1 : i32
        %add3A_758 = arith.addi %scan3A_330, %add3A_757 : i32
        %mul3A_759 = arith.constant 16 : i32
        %mul3A_760 = arith.muli %add3A_758, %mul3A_759 : i32
        %get3A_761 = arith.index_cast %mul3A_760 : i32 to index
        %get3A_762 = tpu.vector_load %arg5[%get3A_761] {strides = array<i32>} : memref<512xi32, #tpu.memory_space<vmem>>, vector<16xi32>,
        %slice3A_763 = vector.extract_strided_slice %get3A_762 {offsets = [8], sizes = [1], strides = [1]} : vector<16xi32> to vector<1xi32>
        %squeeze3A_764 = vector.extract %slice3A_763[0] : i32 from vector<1xi32>
        %shift_right_arithmetic3A_765 = arith.constant 7 : i32
        %shift_right_arithmetic3A_766 = arith.shrsi %squeeze3A_764, %shift_right_arithmetic3A_765 : i32
        %mul3A_767 = arith.constant 128 : i32
        %mul3A_768 = arith.muli %shift_right_arithmetic3A_766, %mul3A_767 : i32
        %multiple_of3A_769 = tpu.assume_multiple %mul3A_768, 128 : i32
        %dma_start3A_770 = arith.constant 8 : i32
        %dma_start3A_771 = arith.constant 0 : i32
        %dma_start3A_772 = arith.constant 0 : i32
        %dma_start3A_773 = tpu.memref_slice %arg6[%dma_start3A_770, %dma_start3A_771, %dma_start3A_772] : memref<16x48x128xf32, #tpu.memory_space<vmem>> -> memref<1x48x128xf32, #tpu.memory_space<vmem>>
        %dma_start3A_774 = tpu.memref_squeeze %dma_start3A_773 : memref<1x48x128xf32, #tpu.memory_space<vmem>> -> memref<48x128xf32, #tpu.memory_space<vmem>>
        %dma_start3A_775 = arith.constant 0 : i32
        %dma_start3A_776 = tpu.memref_slice %arg3[%dma_start3A_775, %multiple_of3A_769] : memref<48x1000000xf32, #tpu.memory_space<hbm>> -> memref<48x128xf32, #tpu.memory_space<hbm>>
        %dma_start3A_777 = arith.constant 0 : i32
        %dma_start3A_778 = arith.constant 0 : i32
        %dma_start3A_779 = tpu.memref_slice %arg6[%dma_start3A_770, %dma_start3A_777, %dma_start3A_778] : memref<16x48x128xf32, #tpu.memory_space<vmem>> -> memref<1x48x128xf32, #tpu.memory_space<vmem>>
        %dma_start3A_780 = tpu.memref_squeeze %dma_start3A_779 : memref<1x48x128xf32, #tpu.memory_space<vmem>> -> memref<48x128xf32, #tpu.memory_space<vmem>>
        %dma_start3A_781 = arith.constant 0 : i32
        %dma_start3A_782 = tpu.memref_slice %arg3[%dma_start3A_781, %multiple_of3A_769] : memref<48x1000000xf32, #tpu.memory_space<hbm>> -> memref<48x128xf32, #tpu.memory_space<hbm>>
        tpu.enqueue_dma source(%dma_start3A_782 : memref<48x128xf32, #tpu.memory_space<hbm>>) target(%dma_start3A_780 : memref<48x128xf32, #tpu.memory_space<vmem>>) target_semaphore(%arg9 : memref<!tpu.dma_semaphore, #tpu.memory_space<semaphore_mem>>)
        %slice3A_783 = vector.extract_strided_slice %get3A_762 {offsets = [9], sizes = [1], strides = [1]} : vector<16xi32> to vector<1xi32>
        %squeeze3A_784 = vector.extract %slice3A_783[0] : i32 from vector<1xi32>
        %shift_right_arithmetic3A_785 = arith.constant 7 : i32
        %shift_right_arithmetic3A_786 = arith.shrsi %squeeze3A_784, %shift_right_arithmetic3A_785 : i32
        %mul3A_787 = arith.constant 128 : i32
        %mul3A_788 = arith.muli %shift_right_arithmetic3A_786, %mul3A_787 : i32
        %multiple_of3A_789 = tpu.assume_multiple %mul3A_788, 128 : i32
        %dma_start3A_790 = arith.constant 9 : i32
        %dma_start3A_791 = arith.constant 0 : i32
        %dma_start3A_792 = arith.constant 0 : i32
        %dma_start3A_793 = tpu.memref_slice %arg6[%dma_start3A_790, %dma_start3A_791, %dma_start3A_792] : memref<16x48x128xf32, #tpu.memory_space<vmem>> -> memref<1x48x128xf32, #tpu.memory_space<vmem>>
        %dma_start3A_794 = tpu.memref_squeeze %dma_start3A_793 : memref<1x48x128xf32, #tpu.memory_space<vmem>> -> memref<48x128xf32, #tpu.memory_space<vmem>>
        %dma_start3A_795 = arith.constant 0 : i32
        %dma_start3A_796 = tpu.memref_slice %arg3[%dma_start3A_795, %multiple_of3A_789] : memref<48x1000000xf32, #tpu.memory_space<hbm>> -> memref<48x128xf32, #tpu.memory_space<hbm>>
        %dma_start3A_797 = arith.constant 0 : i32
        %dma_start3A_798 = arith.constant 0 : i32
        %dma_start3A_799 = tpu.memref_slice %arg6[%dma_start3A_790, %dma_start3A_797, %dma_start3A_798] : memref<16x48x128xf32, #tpu.memory_space<vmem>> -> memref<1x48x128xf32, #tpu.memory_space<vmem>>
        %dma_start3A_800 = tpu.memref_squeeze %dma_start3A_799 : memref<1x48x128xf32, #tpu.memory_space<vmem>> -> memref<48x128xf32, #tpu.memory_space<vmem>>
        %dma_start3A_801 = arith.constant 0 : i32
        %dma_start3A_802 = tpu.memref_slice %arg3[%dma_start3A_801, %multiple_of3A_789] : memref<48x1000000xf32, #tpu.memory_space<hbm>> -> memref<48x128xf32, #tpu.memory_space<hbm>>
        tpu.enqueue_dma source(%dma_start3A_802 : memref<48x128xf32, #tpu.memory_space<hbm>>) target(%dma_start3A_800 : memref<48x128xf32, #tpu.memory_space<vmem>>) target_semaphore(%arg9 : memref<!tpu.dma_semaphore, #tpu.memory_space<semaphore_mem>>)
        %slice3A_803 = vector.extract_strided_slice %get3A_762 {offsets = [10], sizes = [1], strides = [1]} : vector<16xi32> to vector<1xi32>
        %squeeze3A_804 = vector.extract %slice3A_803[0] : i32 from vector<1xi32>
        %shift_right_arithmetic3A_805 = arith.constant 7 : i32
        %shift_right_arithmetic3A_806 = arith.shrsi %squeeze3A_804, %shift_right_arithmetic3A_805 : i32
        %mul3A_807 = arith.constant 128 : i32
        %mul3A_808 = arith.muli %shift_right_arithmetic3A_806, %mul3A_807 : i32
        %multiple_of3A_809 = tpu.assume_multiple %mul3A_808, 128 : i32
        %dma_start3A_810 = arith.constant 10 : i32
        %dma_start3A_811 = arith.constant 0 : i32
        %dma_start3A_812 = arith.constant 0 : i32
        %dma_start3A_813 = tpu.memref_slice %arg6[%dma_start3A_810, %dma_start3A_811, %dma_start3A_812] : memref<16x48x128xf32, #tpu.memory_space<vmem>> -> memref<1x48x128xf32, #tpu.memory_space<vmem>>
        %dma_start3A_814 = tpu.memref_squeeze %dma_start3A_813 : memref<1x48x128xf32, #tpu.memory_space<vmem>> -> memref<48x128xf32, #tpu.memory_space<vmem>>
        %dma_start3A_815 = arith.constant 0 : i32
        %dma_start3A_816 = tpu.memref_slice %arg3[%dma_start3A_815, %multiple_of3A_809] : memref<48x1000000xf32, #tpu.memory_space<hbm>> -> memref<48x128xf32, #tpu.memory_space<hbm>>
        %dma_start3A_817 = arith.constant 0 : i32
        %dma_start3A_818 = arith.constant 0 : i32
        %dma_start3A_819 = tpu.memref_slice %arg6[%dma_start3A_810, %dma_start3A_817, %dma_start3A_818] : memref<16x48x128xf32, #tpu.memory_space<vmem>> -> memref<1x48x128xf32, #tpu.memory_space<vmem>>
        %dma_start3A_820 = tpu.memref_squeeze %dma_start3A_819 : memref<1x48x128xf32, #tpu.memory_space<vmem>> -> memref<48x128xf32, #tpu.memory_space<vmem>>
        %dma_start3A_821 = arith.constant 0 : i32
        %dma_start3A_822 = tpu.memref_slice %arg3[%dma_start3A_821, %multiple_of3A_809] : memref<48x1000000xf32, #tpu.memory_space<hbm>> -> memref<48x128xf32, #tpu.memory_space<hbm>>
        tpu.enqueue_dma source(%dma_start3A_822 : memref<48x128xf32, #tpu.memory_space<hbm>>) target(%dma_start3A_820 : memref<48x128xf32, #tpu.memory_space<vmem>>) target_semaphore(%arg9 : memref<!tpu.dma_semaphore, #tpu.memory_space<semaphore_mem>>)
        %slice3A_823 = vector.extract_strided_slice %get3A_762 {offsets = [11], sizes = [1], strides = [1]} : vector<16xi32> to vector<1xi32>
        %squeeze3A_824 = vector.extract %slice3A_823[0] : i32 from vector<1xi32>
        %shift_right_arithmetic3A_825 = arith.constant 7 : i32
        %shift_right_arithmetic3A_826 = arith.shrsi %squeeze3A_824, %shift_right_arithmetic3A_825 : i32
        %mul3A_827 = arith.constant 128 : i32
        %mul3A_828 = arith.muli %shift_right_arithmetic3A_826, %mul3A_827 : i32
        %multiple_of3A_829 = tpu.assume_multiple %mul3A_828, 128 : i32
        %dma_start3A_830 = arith.constant 11 : i32
        %dma_start3A_831 = arith.constant 0 : i32
        %dma_start3A_832 = arith.constant 0 : i32
        %dma_start3A_833 = tpu.memref_slice %arg6[%dma_start3A_830, %dma_start3A_831, %dma_start3A_832] : memref<16x48x128xf32, #tpu.memory_space<vmem>> -> memref<1x48x128xf32, #tpu.memory_space<vmem>>
        %dma_start3A_834 = tpu.memref_squeeze %dma_start3A_833 : memref<1x48x128xf32, #tpu.memory_space<vmem>> -> memref<48x128xf32, #tpu.memory_space<vmem>>
        %dma_start3A_835 = arith.constant 0 : i32
        %dma_start3A_836 = tpu.memref_slice %arg3[%dma_start3A_835, %multiple_of3A_829] : memref<48x1000000xf32, #tpu.memory_space<hbm>> -> memref<48x128xf32, #tpu.memory_space<hbm>>
        %dma_start3A_837 = arith.constant 0 : i32
        %dma_start3A_838 = arith.constant 0 : i32
        %dma_start3A_839 = tpu.memref_slice %arg6[%dma_start3A_830, %dma_start3A_837, %dma_start3A_838] : memref<16x48x128xf32, #tpu.memory_space<vmem>> -> memref<1x48x128xf32, #tpu.memory_space<vmem>>
        %dma_start3A_840 = tpu.memref_squeeze %dma_start3A_839 : memref<1x48x128xf32, #tpu.memory_space<vmem>> -> memref<48x128xf32, #tpu.memory_space<vmem>>
        %dma_start3A_841 = arith.constant 0 : i32
        %dma_start3A_842 = tpu.memref_slice %arg3[%dma_start3A_841, %multiple_of3A_829] : memref<48x1000000xf32, #tpu.memory_space<hbm>> -> memref<48x128xf32, #tpu.memory_space<hbm>>
        tpu.enqueue_dma source(%dma_start3A_842 : memref<48x128xf32, #tpu.memory_space<hbm>>) target(%dma_start3A_840 : memref<48x128xf32, #tpu.memory_space<vmem>>) target_semaphore(%arg9 : memref<!tpu.dma_semaphore, #tpu.memory_space<semaphore_mem>>)
        %slice3A_843 = vector.extract_strided_slice %get3A_762 {offsets = [12], sizes = [1], strides = [1]} : vector<16xi32> to vector<1xi32>
        %squeeze3A_844 = vector.extract %slice3A_843[0] : i32 from vector<1xi32>
        %shift_right_arithmetic3A_845 = arith.constant 7 : i32
        %shift_right_arithmetic3A_846 = arith.shrsi %squeeze3A_844, %shift_right_arithmetic3A_845 : i32
        %mul3A_847 = arith.constant 128 : i32
        %mul3A_848 = arith.muli %shift_right_arithmetic3A_846, %mul3A_847 : i32
        %multiple_of3A_849 = tpu.assume_multiple %mul3A_848, 128 : i32
        %dma_start3A_850 = arith.constant 12 : i32
        %dma_start3A_851 = arith.constant 0 : i32
        %dma_start3A_852 = arith.constant 0 : i32
        %dma_start3A_853 = tpu.memref_slice %arg6[%dma_start3A_850, %dma_start3A_851, %dma_start3A_852] : memref<16x48x128xf32, #tpu.memory_space<vmem>> -> memref<1x48x128xf32, #tpu.memory_space<vmem>>
        %dma_start3A_854 = tpu.memref_squeeze %dma_start3A_853 : memref<1x48x128xf32, #tpu.memory_space<vmem>> -> memref<48x128xf32, #tpu.memory_space<vmem>>
        %dma_start3A_855 = arith.constant 0 : i32
        %dma_start3A_856 = tpu.memref_slice %arg3[%dma_start3A_855, %multiple_of3A_849] : memref<48x1000000xf32, #tpu.memory_space<hbm>> -> memref<48x128xf32, #tpu.memory_space<hbm>>
        %dma_start3A_857 = arith.constant 0 : i32
        %dma_start3A_858 = arith.constant 0 : i32
        %dma_start3A_859 = tpu.memref_slice %arg6[%dma_start3A_850, %dma_start3A_857, %dma_start3A_858] : memref<16x48x128xf32, #tpu.memory_space<vmem>> -> memref<1x48x128xf32, #tpu.memory_space<vmem>>
        %dma_start3A_860 = tpu.memref_squeeze %dma_start3A_859 : memref<1x48x128xf32, #tpu.memory_space<vmem>> -> memref<48x128xf32, #tpu.memory_space<vmem>>
        %dma_start3A_861 = arith.constant 0 : i32
        %dma_start3A_862 = tpu.memref_slice %arg3[%dma_start3A_861, %multiple_of3A_849] : memref<48x1000000xf32, #tpu.memory_space<hbm>> -> memref<48x128xf32, #tpu.memory_space<hbm>>
        tpu.enqueue_dma source(%dma_start3A_862 : memref<48x128xf32, #tpu.memory_space<hbm>>) target(%dma_start3A_860 : memref<48x128xf32, #tpu.memory_space<vmem>>) target_semaphore(%arg9 : memref<!tpu.dma_semaphore, #tpu.memory_space<semaphore_mem>>)
        %slice3A_863 = vector.extract_strided_slice %get3A_762 {offsets = [13], sizes = [1], strides = [1]} : vector<16xi32> to vector<1xi32>
        %squeeze3A_864 = vector.extract %slice3A_863[0] : i32 from vector<1xi32>
        %shift_right_arithmetic3A_865 = arith.constant 7 : i32
        %shift_right_arithmetic3A_866 = arith.shrsi %squeeze3A_864, %shift_right_arithmetic3A_865 : i32
        %mul3A_867 = arith.constant 128 : i32
        %mul3A_868 = arith.muli %shift_right_arithmetic3A_866, %mul3A_867 : i32
        %multiple_of3A_869 = tpu.assume_multiple %mul3A_868, 128 : i32
        %dma_start3A_870 = arith.constant 13 : i32
        %dma_start3A_871 = arith.constant 0 : i32
        %dma_start3A_872 = arith.constant 0 : i32
        %dma_start3A_873 = tpu.memref_slice %arg6[%dma_start3A_870, %dma_start3A_871, %dma_start3A_872] : memref<16x48x128xf32, #tpu.memory_space<vmem>> -> memref<1x48x128xf32, #tpu.memory_space<vmem>>
        %dma_start3A_874 = tpu.memref_squeeze %dma_start3A_873 : memref<1x48x128xf32, #tpu.memory_space<vmem>> -> memref<48x128xf32, #tpu.memory_space<vmem>>
        %dma_start3A_875 = arith.constant 0 : i32
        %dma_start3A_876 = tpu.memref_slice %arg3[%dma_start3A_875, %multiple_of3A_869] : memref<48x1000000xf32, #tpu.memory_space<hbm>> -> memref<48x128xf32, #tpu.memory_space<hbm>>
        %dma_start3A_877 = arith.constant 0 : i32
        %dma_start3A_878 = arith.constant 0 : i32
        %dma_start3A_879 = tpu.memref_slice %arg6[%dma_start3A_870, %dma_start3A_877, %dma_start3A_878] : memref<16x48x128xf32, #tpu.memory_space<vmem>> -> memref<1x48x128xf32, #tpu.memory_space<vmem>>
        %dma_start3A_880 = tpu.memref_squeeze %dma_start3A_879 : memref<1x48x128xf32, #tpu.memory_space<vmem>> -> memref<48x128xf32, #tpu.memory_space<vmem>>
        %dma_start3A_881 = arith.constant 0 : i32
        %dma_start3A_882 = tpu.memref_slice %arg3[%dma_start3A_881, %multiple_of3A_869] : memref<48x1000000xf32, #tpu.memory_space<hbm>> -> memref<48x128xf32, #tpu.memory_space<hbm>>
        tpu.enqueue_dma source(%dma_start3A_882 : memref<48x128xf32, #tpu.memory_space<hbm>>) target(%dma_start3A_880 : memref<48x128xf32, #tpu.memory_space<vmem>>) target_semaphore(%arg9 : memref<!tpu.dma_semaphore, #tpu.memory_space<semaphore_mem>>)
        %slice3A_883 = vector.extract_strided_slice %get3A_762 {offsets = [14], sizes = [1], strides = [1]} : vector<16xi32> to vector<1xi32>
        %squeeze3A_884 = vector.extract %slice3A_883[0] : i32 from vector<1xi32>
        %shift_right_arithmetic3A_885 = arith.constant 7 : i32
        %shift_right_arithmetic3A_886 = arith.shrsi %squeeze3A_884, %shift_right_arithmetic3A_885 : i32
        %mul3A_887 = arith.constant 128 : i32
        %mul3A_888 = arith.muli %shift_right_arithmetic3A_886, %mul3A_887 : i32
        %multiple_of3A_889 = tpu.assume_multiple %mul3A_888, 128 : i32
        %dma_start3A_890 = arith.constant 14 : i32
        %dma_start3A_891 = arith.constant 0 : i32
        %dma_start3A_892 = arith.constant 0 : i32
        %dma_start3A_893 = tpu.memref_slice %arg6[%dma_start3A_890, %dma_start3A_891, %dma_start3A_892] : memref<16x48x128xf32, #tpu.memory_space<vmem>> -> memref<1x48x128xf32, #tpu.memory_space<vmem>>
        %dma_start3A_894 = tpu.memref_squeeze %dma_start3A_893 : memref<1x48x128xf32, #tpu.memory_space<vmem>> -> memref<48x128xf32, #tpu.memory_space<vmem>>
        %dma_start3A_895 = arith.constant 0 : i32
        %dma_start3A_896 = tpu.memref_slice %arg3[%dma_start3A_895, %multiple_of3A_889] : memref<48x1000000xf32, #tpu.memory_space<hbm>> -> memref<48x128xf32, #tpu.memory_space<hbm>>
        %dma_start3A_897 = arith.constant 0 : i32
        %dma_start3A_898 = arith.constant 0 : i32
        %dma_start3A_899 = tpu.memref_slice %arg6[%dma_start3A_890, %dma_start3A_897, %dma_start3A_898] : memref<16x48x128xf32, #tpu.memory_space<vmem>> -> memref<1x48x128xf32, #tpu.memory_space<vmem>>
        %dma_start3A_900 = tpu.memref_squeeze %dma_start3A_899 : memref<1x48x128xf32, #tpu.memory_space<vmem>> -> memref<48x128xf32, #tpu.memory_space<vmem>>
        %dma_start3A_901 = arith.constant 0 : i32
        %dma_start3A_902 = tpu.memref_slice %arg3[%dma_start3A_901, %multiple_of3A_889] : memref<48x1000000xf32, #tpu.memory_space<hbm>> -> memref<48x128xf32, #tpu.memory_space<hbm>>
        tpu.enqueue_dma source(%dma_start3A_902 : memref<48x128xf32, #tpu.memory_space<hbm>>) target(%dma_start3A_900 : memref<48x128xf32, #tpu.memory_space<vmem>>) target_semaphore(%arg9 : memref<!tpu.dma_semaphore, #tpu.memory_space<semaphore_mem>>)
        %slice3A_903 = vector.extract_strided_slice %get3A_762 {offsets = [15], sizes = [1], strides = [1]} : vector<16xi32> to vector<1xi32>
        %squeeze3A_904 = vector.extract %slice3A_903[0] : i32 from vector<1xi32>
        %shift_right_arithmetic3A_905 = arith.constant 7 : i32
        %shift_right_arithmetic3A_906 = arith.shrsi %squeeze3A_904, %shift_right_arithmetic3A_905 : i32
        %mul3A_907 = arith.constant 128 : i32
        %mul3A_908 = arith.muli %shift_right_arithmetic3A_906, %mul3A_907 : i32
        %multiple_of3A_909 = tpu.assume_multiple %mul3A_908, 128 : i32
        %dma_start3A_910 = arith.constant 15 : i32
        %dma_start3A_911 = arith.constant 0 : i32
        %dma_start3A_912 = arith.constant 0 : i32
        %dma_start3A_913 = tpu.memref_slice %arg6[%dma_start3A_910, %dma_start3A_911, %dma_start3A_912] : memref<16x48x128xf32, #tpu.memory_space<vmem>> -> memref<1x48x128xf32, #tpu.memory_space<vmem>>
        %dma_start3A_914 = tpu.memref_squeeze %dma_start3A_913 : memref<1x48x128xf32, #tpu.memory_space<vmem>> -> memref<48x128xf32, #tpu.memory_space<vmem>>
        %dma_start3A_915 = arith.constant 0 : i32
        %dma_start3A_916 = tpu.memref_slice %arg3[%dma_start3A_915, %multiple_of3A_909] : memref<48x1000000xf32, #tpu.memory_space<hbm>> -> memref<48x128xf32, #tpu.memory_space<hbm>>
        %dma_start3A_917 = arith.constant 0 : i32
        %dma_start3A_918 = arith.constant 0 : i32
        %dma_start3A_919 = tpu.memref_slice %arg6[%dma_start3A_910, %dma_start3A_917, %dma_start3A_918] : memref<16x48x128xf32, #tpu.memory_space<vmem>> -> memref<1x48x128xf32, #tpu.memory_space<vmem>>
        %dma_start3A_920 = tpu.memref_squeeze %dma_start3A_919 : memref<1x48x128xf32, #tpu.memory_space<vmem>> -> memref<48x128xf32, #tpu.memory_space<vmem>>
        %dma_start3A_921 = arith.constant 0 : i32
        %dma_start3A_922 = tpu.memref_slice %arg3[%dma_start3A_921, %multiple_of3A_909] : memref<48x1000000xf32, #tpu.memory_space<hbm>> -> memref<48x128xf32, #tpu.memory_space<hbm>>
        tpu.enqueue_dma source(%dma_start3A_922 : memref<48x128xf32, #tpu.memory_space<hbm>>) target(%dma_start3A_920 : memref<48x128xf32, #tpu.memory_space<vmem>>) target_semaphore(%arg9 : memref<!tpu.dma_semaphore, #tpu.memory_space<semaphore_mem>>)
      } else {
      }
    }
    %scan3A_322 = arith.constant 32 : i32
    %dma_start3A_323 = arith.constant 0 : i32
    %dma_start3A_324 = tpu.memref_slice %arg4[%dma_start3A_323, %mul3A_2] : memref<48x16384xf32, #tpu.memory_space<hbm>> -> memref<48x512xf32, #tpu.memory_space<hbm>>
    %dma_start3A_325 = arith.constant 0 : i32
    %dma_start3A_326 = tpu.memref_slice %arg4[%dma_start3A_325, %mul3A_2] : memref<48x16384xf32, #tpu.memory_space<hbm>> -> memref<48x512xf32, #tpu.memory_space<hbm>>
    tpu.enqueue_dma source(%arg7 : memref<48x512xf32, #tpu.memory_space<vmem>>) target(%dma_start3A_326 : memref<48x512xf32, #tpu.memory_space<hbm>>) target_semaphore(%arg10 : memref<!tpu.dma_semaphore, #tpu.memory_space<semaphore_mem>>)
    %dma_wait3A = arith.constant 0 : i32
    %dma_wait3A_327 = tpu.memref_slice %arg4[%dma_wait3A, %mul3A_2] : memref<48x16384xf32, #tpu.memory_space<hbm>> -> memref<48x512xf32, #tpu.memory_space<hbm>>
    %dma_wait3A_328 = arith.constant 0 : i32
    %dma_wait3A_329 = tpu.memref_slice %arg4[%dma_wait3A_328, %mul3A_2] : memref<48x16384xf32, #tpu.memory_space<hbm>> -> memref<48x512xf32, #tpu.memory_space<hbm>>
    tpu.wait_dma2 semaphore(%arg10 : memref<!tpu.dma_semaphore, #tpu.memory_space<semaphore_mem>>) src(%arg7 : memref<48x512xf32, #tpu.memory_space<vmem>>) dst(%dma_wait3A_329 : memref<48x512xf32, #tpu.memory_space<hbm>>)
    return
  }
}

</mosaic_0001>

<sc_bundles>
// kernel: _gather.3.cloned.1.call-start
scs
__scs_entry_jumppad:
0x0: {  	(pc) =	sbr.rel $0x88, $3  }
0x1: {  	(tag) =	ssettag $0x0;
	lr =	simm.s32 $0x1  }
0x2: {  	[smem:$0x3F9F] =	sst lr;
	_ =	strace $0xD0000000  }
0x3: {  	_ = 	snop  }
0x4: {  	_ = 	snop  }
0x5: {  	_ = 	snop  }
0x6: {  	_ = 	snop  }
0x7: {  	_ = 	snop  }
__scs_overlays_trampoline_lowered:
0x8: {  	[smem:$0x3FAE] =	sst s0  }
0x9: {  	[smem:$0x3FAF] =	sst s1  }
0xa: {  	[smem:$0x3FB0] =	sst s2  }
0xb: {  	[smem:$0x3FB1] =	sst s3  }
0xc: {  	[smem:$0x3FB2] =	sst s4  }
0xd: {  	[smem:$0x3FB3] =	sst s5  }
0xe: {  	[smem:$0x3FB4] =	sst s6  }
0xf: {  	[smem:$0x3FB5] =	sst s7  }
0x10: {  	[smem:$0x3FB6] =	sst s8  }
0x11: {  	[smem:$0x3FB7] =	sst s9;
	s0 =	simm.s32 @!p0 $0x0  }
0x12: {  	s1 =	sld [smem:$0x3F9D];
	s0 =	simm.s32 @p0 $0x1  }
0x13: {  	[smem:$0x3FB8] =	sst s0;
	s0 =	simm.s32 @!p1 $0x0  }
0x14: {  	s2 =	sld [smem:$0x3F9C];
	s0 =	simm.s32 @p1 $0x1  }
0x15: {  	[smem:$0x3FB9] =	sst s0;
	s0 =	simm.s32 @!p2 $0x0  }
0x16: {  	s3 =	sld [smem:$0x3FDB];
	s0 =	simm.s32 @p2 $0x1  }
0x17: {  	s4 =	simm.s32 $0x1BF5;
	[smem:$0x3FBB] =	sst s0  }
0x18: {  	s0 =	sld [smem:$0x3F9E];
	_ =	swait.ge [sflag:s4], $0x0  }
0x19: {  	s7 =	sld [smem:$0x3F9F]  }
0x1a: {  	s8 =	sadd.s32 $0xFFFFE003, lr  }
0x1b: {  	s9 =	sadd.s32 $0xFFFFFEF7, lr;
	s5 =	simm.s32 $0xFFFFFFFF;
	p2 =	slt.u32 s8, $0xFFFFF086  }
0x1c: {  	p1 =	slt.u32 s9, $0xF7A;
	s5 =	simm.s32 @!p2 $0x0  }
0x1d: {  	s5 =	simm.s32 @p1 $0x1;
	p0 =	seq.s32 s7, s2  }
0x1e: {  	s7 =	smul.u32 @!p0 $0xF7A, s2;
	p2 =	seq.s32 @!p0 s5, $0x0  }
0x1f: {  	s9 =	smul.u32 $0xF7A, s1;
	s8 =	simm.s32 @!p0 $0x1BF5;
	p2 =	por !p2, p0  }
0x20: {  	[sflag:s8] =	ssyncset.s32 @!p0 $0xFFFFF086;
	s6 =	sadd.s32 @!p0 s3, s7;
	s7 =	simm.s32 @!p0 $0x108  }
0x21: {  	s3 =	sadd.s32 s3, s9;
	s6 =	sadd.s32 @!p0 $0x88, s6;
	s7 =	simm.s32 @p2 $0x1082  }
0x22: {  	[simem:s7], [sflag:s8] =	dma.local @!p0 [hbm:s6], $0xF7A  }
0x23: {  	s9 =	sor.u32 $0xD0000000, s2;
	s6 =	simm.s32 $0x108;
	_ =	swait.ge @!p0 [sflag:s8], $0x0  }
0x24: {  	s3 =	sadd.s32 $0x88, s3;
	s6 =	simm.s32 @!p1 $0x1082;
	[sflag:s4] =	ssyncset.s32 $0xFFFFF086  }
0x25: {  	[simem:s6], [sflag:s4] =	dma.local [hbm:s3], $0xF7A  }
0x26: {  	[smem:$0x3F9F] =	sst s1;
	(tag) =	ssettag s2;
	_ =	strace s9  }
0x27: {  	s1 =	sld [smem:$0x3FAF]  }
0x28: {  	s2 =	sld [smem:$0x3FB0]  }
0x29: {  	s4 =	sld [smem:$0x3FB2]  }
0x2a: {  	p0 =	seq.s32 s5, $0x0;
	s5 =	sld [smem:$0x3FB3]  }
0x2b: {  	s6 =	sld [smem:$0x3FB4]  }
0x2c: {  	s7 =	sld [smem:$0x3FB5]  }
0x2d: {  	s3 =	simm.s32 $0x108;
	s8 =	sld [smem:$0x3FB6]  }
0x2e: {  	s3 =	simm.s32 @!p0 $0x1082;
	s9 =	sld [smem:$0x3FB7]  }
0x2f: {  	lr =	sadd.s32 s0, s3;
	s0 =	sld [smem:$0x3FAE]  }
0x30: {  	s3 =	sld [smem:$0x3FB1]  }
0x31: {  	[smem:$0x3FBA] =	sst s10  }
0x32: {  	s10 =	sld [smem:$0x3FB8];
	_ =	sdelay $0x3  }
0x33: {  	p0 =	seq.s32 s10, $0x1;
	s10 =	sld [smem:$0x3FBA];
	_ =	sdelay $0x3  }
0x34: {  	[smem:$0x3FBA] =	sst s10  }
0x35: {  	s10 =	sld [smem:$0x3FB9];
	_ =	sdelay $0x3  }
0x36: {  	p1 =	seq.s32 s10, $0x1;
	s10 =	sld [smem:$0x3FBA];
	_ =	sdelay $0x3  }
0x37: {  	[smem:$0x3FBA] =	sst s10  }
0x38: {  	s10 =	sld [smem:$0x3FBB]  }
0x39: {  	_ = 	snop;
	(pc) =	sbr.ind lr, $3  }
0x3a: {  	_ = 	snop  }
0x3b: {  	_ = 	snop  }
0x3c: {  	p2 =	seq.s32 s10, $0x1;
	s10 =	sld [smem:$0x3FBA]  }
0x3d: {  	_ =	shalt  }
0x3e: {  	_ =	shalt  }
0x3f: {  	_ =	shalt  }
0x40: {  	_ =	shalt  }
0x41: {  	_ =	shalt  }
0x42: {  	_ =	shalt  }
0x43: {  	_ =	shalt  }
0x44: {  	_ =	shalt  }
0x45: {  	_ =	shalt  }
0x46: {  	_ =	shalt  }
0x47: {  	_ =	shalt  }
0x48: {  	_ =	shalt  }
0x49: {  	_ =	shalt  }
0x4a: {  	_ =	shalt  }
0x4b: {  	_ =	shalt  }
0x4c: {  	_ =	shalt  }
0x4d: {  	_ =	shalt  }
0x4e: {  	_ =	shalt  }
0x4f: {  	_ =	shalt  }
0x50: {  	_ =	shalt  }
0x51: {  	_ =	shalt  }
0x52: {  	_ =	shalt  }
0x53: {  	_ =	shalt  }
0x54: {  	_ =	shalt  }
0x55: {  	_ =	shalt  }
0x56: {  	_ =	shalt  }
0x57: {  	_ =	shalt  }
0x58: {  	_ =	shalt  }
0x59: {  	_ =	shalt  }
0x5a: {  	_ =	shalt  }
0x5b: {  	_ =	shalt  }
0x5c: {  	_ =	shalt  }
0x5d: {  	_ =	shalt  }
0x5e: {  	_ =	shalt  }
0x5f: {  	_ =	shalt  }
0x60: {  	_ =	shalt  }
0x61: {  	_ =	shalt  }
0x62: {  	_ =	shalt  }
0x63: {  	_ =	shalt  }
0x64: {  	_ =	shalt  }
0x65: {  	_ =	shalt  }
0x66: {  	_ =	shalt  }
0x67: {  	_ =	shalt  }
0x68: {  	_ =	shalt  }
0x69: {  	_ =	shalt  }
0x6a: {  	_ =	shalt  }
0x6b: {  	_ =	shalt  }
0x6c: {  	_ =	shalt  }
0x6d: {  	_ =	shalt  }
0x6e: {  	_ =	shalt  }
0x6f: {  	_ =	shalt  }
0x70: {  	_ =	shalt  }
0x71: {  	_ =	shalt  }
0x72: {  	_ =	shalt  }
0x73: {  	_ =	shalt  }
0x74: {  	_ =	shalt  }
0x75: {  	_ =	shalt  }
0x76: {  	_ =	shalt  }
0x77: {  	_ =	shalt  }
0x78: {  	_ =	shalt  }
0x79: {  	_ =	shalt  }
0x7a: {  	_ =	shalt  }
0x7b: {  	_ =	shalt  }
0x7c: {  	_ =	shalt  }
0x7d: {  	_ =	shalt  }
0x7e: {  	_ =	shalt  }
0x7f: {  	_ =	shalt  }
0x80: {  	_ =	shalt  }
0x81: {  	_ =	shalt  }
0x82: {  	_ =	shalt  }
0x83: {  	_ =	shalt  }
0x84: {  	_ =	shalt  }
0x85: {  	_ =	shalt  }
0x86: {  	_ =	shalt  }
0x87: {  	_ =	shalt  }
.Lfunc_end0:
.L_simem_size_0:
called_computation_lowered:
.L_overlay_start_0:
0x88: {  	s2 =	sld [smem:$0x3FD9]  }
0x89: {  	s3 =	sld [smem:$0x3FFE];
	_ =	sdelay $0x1  }
0x8a: {  	s1 =	srdreg.scid  }
0x8b: {  	s0 =	sand.u32 $0x1, s1  }
0x8c: {  	s18 =	sshll.u32 s0, $0xA;
	s2 =	sadd.s32 s3, s2  }
0x8d: {  	s2 =	sadd.s32 s2, s18  }
0x8e: {  	[smem:$0x3FC6] =	sst s2  }
0x8f: {  	_ = 	snop  }
0x90: {  	s2 =	sld [smem:$0x3FC9]  }
0x91: {  	s19 =	sld [smem:$0x3FC8]  }
0x92: {  	s4 =	sld [smem:$0x3FD0];
	(tm) =	ssettm $0x1  }
0x93: {  	s5 =	sld [smem:$0x3FFB];
	_ =	sdelay $0x3  }
0x94: {  	_ =	strace s5  }
0x95: {  	s5 =	sld [smem:$0x3FFC];
	_ =	sdelay $0x3  }
0x96: {  	_ =	strace s5  }
0x97: {  	s5 =	sld [smem:$0x3FFD];
	_ =	sdelay $0x3  }
0x98: {  	_ =	strace s5  }
0x99: {  	_ =	strace $0x8FFFFFFF  }
0x9a: {  	s20 =	sld [smem:$0x3FDB];
	_ =	sdelay $0x1  }
0x9b: {  	s6 =	simm.s32 $_scs_section_size  }
0x9c: {  	s7 =	simm.s32 $_size__tile_overlayer_lowered;
	s8 =	simm.s32 $_tile_overlayer_lowered  }
0x9d: {  	s23 =	simm.s32 $0x1BFF;
	s22 =	sshll.u32 s8, $0x1;
	s5 =	sadd.s32 s6, s20  }
0x9e: {  	s9 =	simm.s32 $0x0;
	s21 =	sshll.u32 s7, $0x1;
	s7 =	sadd.s32 s22, s5  }
0x9f: {  	[timem:s9], [sflag:s23] =	dma.local [hbm:s7], s21  }
0xa0: {  	_ =	swait.ge [sflag:s23], s21  }
0xa1: {  	s6 =	ssub.s32 $0x0, s21;
	[sflag:s23] =	ssyncset.done $0x0  }
0xa2: {  	[sflag:s23] =	ssyncadd.s32 s6;
	_ =	sdelay $0x1  }
0xa3: {  	s24 =	simm.s32 $0x1B8B  }
0xa4: {  	_ =	swait.ge [sflag:s24], $0x1  }
0xa5: {  	[sflag:s24] =	ssyncset.done $0x0  }
0xa6: {  	s25 =	simm.s32 $0x1B8E;
	[sflag:s24] =	ssyncadd.s32 $0xFFFFFFFF  }
0xa7: {  	s26 =	simm.s32 $execute0_lowered;
	[smem:$0x3FD2] =	sst s25  }
0xa8: {  	s6 =	sshll.u32 s26, $0x1;
	_ =	strace $0x80000046;
	[dreg:$0x1] =	wrdreg $0xFFFFFFFF  }
0xa9: {  	s28 =	simm.s32 $_size_execute0_lowered;
	s5 =	sadd.s32 s5, s6;
	[dreg:$0x0] =	wrdreg $0x0  }
0xaa: {  	s6 =	sshll.u32 s28, $0x1;
	[dreg:$0x2] =	wrdreg s5  }
0xab: {  	[dreg:$0x3] =	wrdreg s6  }
0xac: {  	[dreg:$0x4] =	wrdreg $0xC0  }
0xad: {  	_ =	task [dreg:s9], $0x5FFFF  }
0xae: {  	[dreg:$0x1] =	wrdreg $0xFFFFFFFF  }
0xaf: {  	[dreg:$0x0] =	wrdreg $0x60  }
0xb0: {  	[dreg:$0x2] =	wrdreg s2  }
0xb1: {  	[dreg:$0x3] =	wrdreg s19  }
0xb2: {  	[dreg:$0x4] =	wrdreg s4  }
0xb3: {  	[dreg:$0x5] =	wrdreg $0x9  }
0xb4: {  	_ =	task.clear_ibuf [dreg:s9], $0x6FFFF;
	_ =	strace $0x90000046  }
0xb5: {  	s29 =	simm.s32 $0x9;
	_ =	strace $0x80000048  }
0xb6: {  	_ =	swait.ge [sflag:s29], $0x1  }
0xb7: {  	[sflag:s29] =	ssyncadd.s32 $0xFFFFFFFF  }
0xb8: {  	_ =	strace $0x90000048  }
0xb9: {  	_ =	sfence  }
0xba: {  	s30 =	sld [smem:$0x0];
	_ =	sdelay $0x2  }
0xbb: {  	s31 =	sshll.u32 s1, $0xD;
	s1 =	sshrl.u32 s1, $0x2  }
0xbc: {  	s3 =	sand.u32 $0x4000, s31;
	s1 =	sadd.s32 s1, s30  }
0xbd: {  	s0 =	sor.u32 s3, s0;
	s1 =	sshll.u32 s1, $0x11  }
0xbe: {  	s0 =	sor.u32 s1, s0  }
0xbf: {  	s0 =	sadd.s32 $0x8F2B, s0  }
0xc0: {  	[sflag:s0] =	ssyncadd.remote.s32 $0x1  }
0xc1: {  	_ =	sfence.sel $0xFFFF  }
0xc2: {  	[dreg:$0x0] =	wrdreg $0xFFFFFFFF;
	(pc) =	sbr.abs _section_cstart, $3  }
0xc3: {  	[dreg:$0x1] =	wrdreg $0xFFFFFFFF  }
0xc4: {  	_ =	task.clear_ibuf [dreg:s9], $0x2FFFF;
	_ =	strace $0x9FFFFFFF  }
0xc5: {  	(tm) =	ssettm $0x7FFFFFFF  }
tec
execute0_lowered:
.L_overlay_start_1:
0x0: {  	(tag) =	ssettag $0x1  }
0x1: {  	v0 =	vimm.s32 $0x1380  }
0x2: {  	vm0 =	vcmask $0x300;
	vm1 =	vcmask $0x704;
	vm2 =	vcmask $0xB08  }
0x3: {  	vm3 =	vcmask $0xF0C;
	vm4 =	vcmask $0x1310;
	vm5 =	vcmask $0x1714  }
0x4: {  	vm6 =	vcmask $0x1B18;
	v1 =	vlaneseq.u32;
	vm7 =	vcmask $0x1F1C  }
0x5: {  	vm8 =	vcmask $0x2320;
	v3 =	vimm.s32 $0x5380;
	v0 =	vsel vm0, $0x0, v0  }
0x6: {  	vm10 =	vcmask $0x2724;
	v3 =	vsel vm0, $0x4000, v3;
	v0 =	vsel vm1, $0x80, v0  }
0x7: {  	vm11 =	vcmask $0x2B28;
	v3 =	vsel vm1, $0x4080, v3;
	v0 =	vsel vm2, $0x100, v0  }
0x8: {  	vm12 =	vcmask $0x2F2C;
	v3 =	vsel vm2, $0x4100, v3;
	v0 =	vsel vm3, $0x180, v0  }
0x9: {  	vm13 =	vcmask $0x3330;
	v3 =	vsel vm3, $0x4180, v3;
	v0 =	vsel vm4, $0x200, v0  }
0xa: {  	vm14 =	vcmask $0x3734;
	v3 =	vsel vm4, $0x4200, v3;
	v0 =	vsel vm5, $0x280, v0  }
0xb: {  	vm15 =	vcmask $0x3B38;
	v3 =	vsel vm5, $0x4280, v3;
	v2 =	vsel vm6, $0x300, v0  }
0xc: {  	v0 =	vmul.u32 $0x80, v1;
	v3 =	vsel vm6, $0x4300, v3;
	v1 =	vsel vm7, $0x380, v2  }
0xd: {  	v2 =	vimm.s32 $0x3380;
	v3 =	vsel vm7, $0x4380, v3;
	v1 =	vsel vm8, $0x1000, v1  }
0xe: {  	v2 =	vsel vm0, $0x2000, v2;
	v3 =	vsel vm8, $0x5000, v3;
	v6 =	vor.u32 $0x1800, v0  }
0xf: {  	v7 =	vor.u32 $0x2000, v0;
	v8 =	vor.u32 $0x2800, v0;
	v9 =	vor.u32 $0x3000, v0  }
0x10: {  	v10 =	vor.u32 $0x3800, v0;
	v11 =	vor.u32 $0x4000, v0;
	v12 =	vor.u32 $0x4800, v0  }
0x11: {  	v13 =	vor.u32 $0x5000, v0;
	v14 =	vor.u32 $0x5800, v0;
	v15 =	vor.u32 $0x6000, v0  }
0x12: {  	v16 =	vor.u32 $0x6800, v0;
	v17 =	vor.u32 $0x7000, v0;
	v18 =	vor.u32 $0x7800, v0  }
0x13: {  	v19 =	vor.u32 $0x8000, v0;
	v20 =	vor.u32 $0x8800, v0;
	v21 =	vor.u32 $0x9000, v0  }
0x14: {  	v22 =	vor.u32 $0x9800, v0;
	v23 =	vor.u32 $0xA000, v0;
	v24 =	vor.u32 $0xA800, v0  }
0x15: {  	v25 =	vor.u32 $0xB000, v0;
	v26 =	vor.u32 $0xB800, v0;
	v27 =	vor.u32 $0xC000, v0  }
0x16: {  	v28 =	vor.u32 $0xC800, v0;
	v29 =	vor.u32 $0xD000, v0;
	v30 =	vor.u32 $0xD800, v0  }
0x17: {  	v31 =	vor.u32 $0xE000, v0;
	v32 =	vor.u32 $0xE800, v0;
	v33 =	vor.u32 $0xF000, v0  }
0x18: {  	s1 =	rddreg [dreg:$0x0];
	v34 =	vor.u32 $0xF800, v0;
	v35 =	vor.u32 $0x10000, v0;
	v36 =	vor.u32 $0x10800, v0  }
0x19: {  	s0 =	rddreg [dreg:$0x1];
	v37 =	vor.u32 $0x11000, v0;
	v38 =	vor.u32 $0x11800, v0;
	v2 =	vsel vm1, $0x2080, v2  }
0x1a: {  	s2 =	rddreg [dreg:$0x2];
	s3 =	srdreg.scid;
	v39 =	vor.u32 $0x12000, v0;
	v40 =	vor.u32 $0x12800, v0;
	v2 =	vsel vm2, $0x2100, v2  }
0x1b: {  	s4 =	stileid.u32;
	s6 =	simm.s32 $0x0;
	s8 =	simm.s32 $0x7A1400;
	v41 =	vor.u32 $0x13000, v0;
	v42 =	vor.u32 $0x13800, v0;
	v2 =	vsel vm3, $0x2180, v2  }
0x1c: {  	s7 =	simm.s32 $0x4;
	s9 =	simm.s32 $0x400;
	s10 =	simm.s32 $0x200;
	v43 =	vor.u32 $0x14000, v0;
	v44 =	vor.u32 $0x14800, v0;
	v2 =	vsel vm4, $0x2200, v2  }
0x1d: {  	s17 =	simm.s32 $0xAA00;
	s18 =	simm.s32 $0xC200;
	s19 =	simm.s32 $0xDA00;
	v45 =	vor.u32 $0x15000, v0;
	v46 =	vor.u32 $0x15800, v0;
	v2 =	vsel vm5, $0x2280, v2  }
0x1e: {  	s20 =	simm.s32 $0xF200;
	s21 =	simm.s32 $0x10A00;
	s22 =	simm.s32 $0x12200;
	v47 =	vor.u32 $0x16000, v0;
	v48 =	vor.u32 $0x16800, v0;
	v2 =	vsel vm6, $0x2300, v2  }
0x1f: {  	s23 =	simm.s32 $0x13A00;
	s24 =	simm.s32 $0x15200;
	s28 =	simm.s32 $0x18200;
	v49 =	vor.u32 $0x17000, v0;
	v50 =	vor.u32 $0x17800, v0;
	v2 =	vsel vm7, $0x2380, v2  }
0x20: {  	s29 =	simm.s32 $0x2;
	s30 =	simm.s32 $0x1000;
	s31 =	simm.s32 $0x20000;
	v1 =	vsel vm10, $0x1080, v1;
	v3 =	vsel vm10, $0x5080, v3;
	v2 =	vsel vm8, $0x3000, v2  }
0x21: {  	s3 =	sand.u32 $0x1, s3;
	s4 =	sshll.u32 s4, $0xA;
	[smem:$0x7FF] =	sst s6;
	v1 =	vsel vm11, $0x1100, v1;
	v3 =	vsel vm11, $0x5100, v3;
	v2 =	vsel vm10, $0x3080, v2  }
.Ltmp0:
0x22: {  	s5 =	sshll.u32 s3, $0x9;
	s3 =	ssub.s32 $0x2, s3;
	v1 =	vsel vm12, $0x1180, v1;
	v3 =	vsel vm12, $0x5180, v3;
	v2 =	vsel vm11, $0x3100, v2;
	(pc) =	sbr.rel .LBB2_1-.Ltmp0, $4  }
0x23: {  	_ =	strace $0x80000047;
	s5 =	sor.u32 s5, s4;
	s25 =	sshrl.u32 s3, $0x1;
	v1 =	vsel vm13, $0x1200, v1;
	v3 =	vsel vm13, $0x5200, v3;
	v2 =	vsel vm12, $0x3180, v2  }
0x24: {  	s26 =	sshrl.u32 s5, $0x3;
	s3 =	ssub.s32 s3, s25;
	s5 =	sadd.s32 s2, s5;
	v1 =	vsel vm14, $0x1280, v1;
	v5 =	vsel vm14, $0x5280, v3;
	v4 =	vsel vm13, $0x3200, v2  }
0x25: {  	s25 =	simm.s32 $0x16A00;
	s2 =	simm.s32 $0x0;
	s4 =	sadd.s32 s1, s26;
	v1 =	vsel vm15, $0x1300, v1;
	v5 =	vsel vm15, $0x5300, v5;
	v4 =	vsel vm14, $0x3280, v4  }
0x26: {  	s6 =	smax.u32 s3, $0x1;
	s26 =	simm.s32 $0x1;
	s1 =	simm.s32 $0x3;
	v2 =	vor.u32 $0x800, v0;
	v3 =	vsel vm15, $0x3300, v4;
	v4 =	vor.u32 $0x1000, v0  }
.LBB2_4:
0x27: {  	s2 =	sadd.s32 $0x1, s2  }
0x28: {  	p0 =	sne.s32 s2, s6  }
.Ltmp1:
0x29: {  	_ = 	snop;
	(pc) =	sbr.rel @!p0 .LBB2_5-.Ltmp1, $4  }
0x2a: {  	[hbm4b:s5+s30] =	stream.strided.scatter [tilespmem:s28], [sflag:$0x3], $0x6000, s31, s30, $0x38;
	[tilespmem:$0x1E200] =	vst v63  }
0x2b: {  	_ =	swait.ge [sflag:s1], $0x6000  }
0x2c: {  	[sflag:s1] =	ssyncset.done $0x0  }
0x2d: {  	[sflag:s1] =	ssyncadd.s32 $0xFFFFA000  }
.LBB2_1:
0x2e: {  	s3 =	simm.s32 $0x0  }
0x2f: {  	[tilespmem:s3], [sflag:$0x4] =	stream.linear.gather [hbm4b:s4+s3], $0x200, $0x38;
	[tilespmem:$0x1E200] =	vst v63  }
0x30: {  	_ =	swait.ge [sflag:s7], $0x200  }
0x31: {  	[sflag:s7] =	ssyncset.done $0x0  }
0x32: {  	[sflag:s7] =	ssyncadd.s32 $0xFFFFFE00  }
0x33: {  	v51 =	vld [tilespmem:$0x0];
	_ =	sdelay $0x4  }
0x34: {  	(v2sf) =	vpush v51, $0x0  }
0x35: {  	(v2sf) =	vpush v51, $0x1;
	_ =	sdelay $0x6  }
0x36: {  	(v2sf) =	vpush v51, $0x2  }
0x37: {  	(v2sf) =	vpush v51, $0x3;
	_ =	sdelay $0x5  }
0x38: {  	s15 =	spop (v2sf);
	(v2sf) =	vpush v51, $0x4  }
0x39: {  	s16 =	spop (v2sf);
	(v2sf) =	vpush v51, $0x5  }
0x3a: {  	s3 =	sand.u32 $0xFFFFF80, s15  }
0x3b: {  	s3 =	sadd.s32 s0, s3  }
0x3c: {  	[tilespmem:s10], [sflag:$0x1] =	stream.strided.gather [hbm4b:s3+s9], $0x1800, s8, s9, $0x38;
	[tilespmem:$0x1E200] =	vst v63  }
0x3d: {  	s3 =	sand.u32 $0xFFFFF80, s16  }
0x3e: {  	s11 =	simm.s32 $0x1A00;
	s3 =	sadd.s32 s0, s3  }
0x3f: {  	(v2sf) =	vpush v51, $0x6;
	[tilespmem:s11], [sflag:$0x1] =	stream.strided.gather [hbm4b:s3+s9], $0x1800, s8, s9, $0x38;
	[tilespmem:$0x1E200] =	vst v63  }
0x40: {  	s11 =	spop (v2sf)  }
0x41: {  	s13 =	spop (v2sf);
	(v2sf) =	vpush v51, $0x7;
	_ =	sdelay $0x2  }
0x42: {  	s3 =	sand.u32 $0xFFFFF80, s11  }
0x43: {  	s12 =	simm.s32 $0x3200;
	s3 =	sadd.s32 s0, s3  }
0x44: {  	[tilespmem:s12], [sflag:$0x1] =	stream.strided.gather [hbm4b:s3+s9], $0x1800, s8, s9, $0x38;
	[tilespmem:$0x1E200] =	vst v63  }
0x45: {  	s3 =	sand.u32 $0xFFFFF80, s13;
	s15 =	spop (v2sf);
	(v2sf) =	vpush v51, $0x8  }
0x46: {  	s14 =	simm.s32 $0x4A00;
	s3 =	sadd.s32 s0, s3;
	s12 =	spop (v2sf);
	(v2sf) =	vpush v51, $0x9  }
0x47: {  	[tilespmem:s14], [sflag:$0x1] =	stream.strided.gather [hbm4b:s3+s9], $0x1800, s8, s9, $0x38;
	[tilespmem:$0x1E200] =	vst v63  }
0x48: {  	s3 =	sand.u32 $0xFFFFF80, s15;
	(v2sf) =	vpush v51, $0xA  }
0x49: {  	s16 =	simm.s32 $0x6200;
	s3 =	sadd.s32 s0, s3  }
0x4a: {  	[tilespmem:s16], [sflag:$0x1] =	stream.strided.gather [hbm4b:s3+s9], $0x1800, s8, s9, $0x38;
	[tilespmem:$0x1E200] =	vst v63  }
0x4b: {  	s3 =	sand.u32 $0xFFFFF80, s12  }
0x4c: {  	s13 =	simm.s32 $0x7A00;
	s14 =	spop (v2sf);
	s3 =	sadd.s32 s0, s3  }
0x4d: {  	(v2sf) =	vpush v51, $0xB;
	[tilespmem:s13], [sflag:$0x1] =	stream.strided.gather [hbm4b:s3+s9], $0x1800, s8, s9, $0x38;
	[tilespmem:$0x1E200] =	vst v63  }
0x4e: {  	s3 =	sand.u32 $0xFFFFF80, s14;
	s16 =	spop (v2sf);
	(v2sf) =	vpush v51, $0xC  }
0x4f: {  	s15 =	simm.s32 $0x9200;
	s3 =	sadd.s32 s0, s3  }
0x50: {  	[tilespmem:s15], [sflag:$0x1] =	stream.strided.gather [hbm4b:s3+s9], $0x1800, s8, s9, $0x38;
	[tilespmem:$0x1E200] =	vst v63  }
0x51: {  	s3 =	sand.u32 $0xFFFFF80, s16  }
0x52: {  	s3 =	sadd.s32 s0, s3  }
0x53: {  	[tilespmem:s17], [sflag:$0x1] =	stream.strided.gather [hbm4b:s3+s9], $0x1800, s8, s9, $0x38;
	[tilespmem:$0x1E200] =	vst v63  }
0x54: {  	s11 =	spop (v2sf);
	(v2sf) =	vpush v51, $0xD  }
0x55: {  	s12 =	spop (v2sf);
	(v2sf) =	vpush v51, $0xE  }
0x56: {  	s3 =	sand.u32 $0xFFFFF80, s11  }
0x57: {  	s3 =	sadd.s32 s0, s3;
	s13 =	spop (v2sf)  }
0x58: {  	(v2sf) =	vpush v51, $0xF;
	[tilespmem:s18], [sflag:$0x2] =	stream.strided.gather [hbm4b:s3+s9], $0x1800, s8, s9, $0x38;
	[tilespmem:$0x1E200] =	vst v63  }
0x59: {  	s3 =	sand.u32 $0xFFFFF80, s12  }
0x5a: {  	s3 =	sadd.s32 s0, s3  }
0x5b: {  	[tilespmem:s19], [sflag:$0x2] =	stream.strided.gather [hbm4b:s3+s9], $0x1800, s8, s9, $0x38;
	[tilespmem:$0x1E200] =	vst v63  }
0x5c: {  	s14 =	spop (v2sf);
	s3 =	sand.u32 $0xFFFFF80, s13  }
0x5d: {  	s15 =	sand.u32 $0xFFFFF80, s14;
	s3 =	sadd.s32 s0, s3;
	s16 =	spop (v2sf)  }
0x5e: {  	[tilespmem:s20], [sflag:$0x2] =	stream.strided.gather [hbm4b:s3+s9], $0x1800, s8, s9, $0x38;
	[tilespmem:$0x1E200] =	vst v63  }
0x5f: {  	s3 =	sadd.s32 s0, s15;
	s11 =	sand.u32 $0xFFFFF80, s16  }
0x60: {  	[tilespmem:s21], [sflag:$0x2] =	stream.strided.gather [hbm4b:s3+s9], $0x1800, s8, s9, $0x38;
	[tilespmem:$0x1E200] =	vst v63  }
0x61: {  	s3 =	sadd.s32 s0, s11  }
0x62: {  	[tilespmem:s22], [sflag:$0x2] =	stream.strided.gather [hbm4b:s3+s9], $0x1800, s8, s9, $0x38;
	[tilespmem:$0x1E200] =	vst v63  }
0x63: {  	s12 =	spop (v2sf)  }
0x64: {  	s13 =	sand.u32 $0xFFFFF80, s12;
	s14 =	spop (v2sf)  }
0x65: {  	s3 =	sadd.s32 s0, s13;
	s15 =	sand.u32 $0xFFFFF80, s14  }
0x66: {  	[tilespmem:s23], [sflag:$0x2] =	stream.strided.gather [hbm4b:s3+s9], $0x1800, s8, s9, $0x38;
	[tilespmem:$0x1E200] =	vst v63  }
0x67: {  	s16 =	spop (v2sf);
	s3 =	sadd.s32 s0, s15  }
0x68: {  	[tilespmem:s24], [sflag:$0x2] =	stream.strided.gather [hbm4b:s3+s9], $0x1800, s8, s9, $0x38;
	[tilespmem:$0x1E200] =	vst v63  }
0x69: {  	s3 =	sand.u32 $0xFFFFF80, s16  }
0x6a: {  	s3 =	sadd.s32 s0, s3  }
0x6b: {  	[tilespmem:s25], [sflag:$0x2] =	stream.strided.gather [hbm4b:s3+s9], $0x1800, s8, s9, $0x38;
	[tilespmem:$0x1E200] =	vst v63  }
0x6c: {  	s11 =	simm.s32 $0x10;
	s3 =	simm.s32 $0xF  }
.LBB2_2:
0x6d: {  	v51 =	vld [tilespmem:s11+$0xFFFFFFF0];
	_ =	sdelay $0x4  }
0x6e: {  	v51 =	vand.u32 $0x7F, v51  }
0x6f: {  	v52 =	vbroadcast v51, $0x0;
	_ =	sdelay $0x1  }
0x70: {  	s12 =	sadd.s32 $0xFFFFFFF1, s3;
	v53 =	vor.u32 v0, v52  }
0x71: {  	v54 =	vmov s12  }
0x72: {  	_ =	swait.ge [sflag:s26], $0xC000;
	v55 =	vshll.u32 v54, $0x3  }
0x73: {  	[sflag:s26] =	ssyncset.done $0x0;
	v54 =	vand.u32 $0x70, v54;
	v55 =	vand.u32 $0xC00, v55  }
0x74: {  	[sflag:s26] =	ssyncadd.s32 $0xFFFF4000;
	v54 =	vor.u32 v54, v55  }
0x75: {  	v55 =	vor.u32 v1, v54;
	v53 =	vld.idx.msk [tilespmem:v53+s10+$0x0], $0xffff  }
0x76: {  	v56 =	vor.u32 v2, v52;
	_ =	sdelay $0x3  }
0x77: {  	[tilespmem:v55+s28+$0x0] =	vst.idx.msk $0xffff, v53  }
0x78: {  	v62 =	vor.u32 v3, v54;
	v53 =	vld.idx.msk [tilespmem:v56+s10+$0x0], $0xffff  }
0x79: {  	v52 =	vor.u32 v4, v52;
	_ =	sdelay $0x3  }
0x7a: {  	[tilespmem:v62+s28+$0x0] =	vst.idx.msk $0xffff, v53;
	v53 =	vbroadcast v51, $0x1  }
0x7b: {  	v54 =	vor.u32 v5, v54;
	v52 =	vld.idx.msk [tilespmem:v52+s10+$0x0], $0xffff  }
0x7c: {  	s16 =	sadd.s32 $0xFFFFFFF2, s3;
	v63 =	vor.u32 v6, v53  }
0x7d: {  	v60 =	vmov s16  }
0x7e: {  	v57 =	vshll.u32 v60, $0x3  }
0x7f: {  	v57 =	vand.u32 $0xC00, v57;
	v56 =	vand.u32 $0x71, v60  }
0x80: {  	v61 =	vor.u32 v56, v57;
	[tilespmem:v54+s28+$0x0] =	vst.idx.msk $0xffff, v52  }
0x81: {  	v62 =	vor.u32 v1, v61;
	v54 =	vld.idx.msk [tilespmem:v63+s10+$0x0], $0xffff  }
0x82: {  	v63 =	vor.u32 v7, v53;
	_ =	sdelay $0x3  }
0x83: {  	[tilespmem:v62+s28+$0x0] =	vst.idx.msk $0xffff, v54  }
0x84: {  	v59 =	vor.u32 v3, v61;
	v54 =	vld.idx.msk [tilespmem:v63+s10+$0x0], $0xffff  }
0x85: {  	v53 =	vor.u32 v8, v53;
	_ =	sdelay $0x3  }
0x86: {  	[tilespmem:v59+s28+$0x0] =	vst.idx.msk $0xffff, v54;
	v54 =	vbroadcast v51, $0x2  }
0x87: {  	v52 =	vor.u32 v5, v61;
	v53 =	vld.idx.msk [tilespmem:v53+s10+$0x0], $0xffff  }
0x88: {  	s13 =	sadd.s32 $0xFFFFFFF3, s3;
	v60 =	vor.u32 v9, v54  }
0x89: {  	v61 =	vmov s13  }
0x8a: {  	v62 =	vshll.u32 v61, $0x3  }
0x8b: {  	v56 =	vand.u32 $0x72, v61;
	v57 =	vand.u32 $0xC00, v62  }
0x8c: {  	v63 =	vor.u32 v56, v57;
	[tilespmem:v52+s28+$0x0] =	vst.idx.msk $0xffff, v53  }
0x8d: {  	v53 =	vld.idx.msk [tilespmem:v60+s10+$0x0], $0xffff;
	v60 =	vor.u32 v1, v63  }
0x8e: {  	v61 =	vor.u32 v10, v54;
	_ =	sdelay $0x3  }
0x8f: {  	[tilespmem:v60+s28+$0x0] =	vst.idx.msk $0xffff, v53  }
0x90: {  	v62 =	vor.u32 v3, v63;
	v53 =	vld.idx.msk [tilespmem:v61+s10+$0x0], $0xffff  }
0x91: {  	v54 =	vor.u32 v11, v54;
	_ =	sdelay $0x3  }
0x92: {  	[tilespmem:v62+s28+$0x0] =	vst.idx.msk $0xffff, v53;
	v53 =	vbroadcast v51, $0x3  }
0x93: {  	v52 =	vor.u32 v5, v63;
	v54 =	vld.idx.msk [tilespmem:v54+s10+$0x0], $0xffff  }
0x94: {  	s14 =	sadd.s32 $0xFFFFFFF4, s3;
	v63 =	vor.u32 v12, v53  }
0x95: {  	v60 =	vmov s14  }
0x96: {  	v61 =	vshll.u32 v60, $0x3  }
0x97: {  	v56 =	vand.u32 $0x73, v60;
	v57 =	vand.u32 $0xC00, v61  }
0x98: {  	v62 =	vor.u32 v56, v57;
	[tilespmem:v52+s28+$0x0] =	vst.idx.msk $0xffff, v54  }
0x99: {  	v54 =	vld.idx.msk [tilespmem:v63+s10+$0x0], $0xffff;
	v63 =	vor.u32 v1, v62  }
0x9a: {  	v60 =	vor.u32 v13, v53;
	_ =	sdelay $0x3  }
0x9b: {  	[tilespmem:v63+s28+$0x0] =	vst.idx.msk $0xffff, v54  }
0x9c: {  	v61 =	vor.u32 v3, v62;
	v54 =	vld.idx.msk [tilespmem:v60+s10+$0x0], $0xffff  }
0x9d: {  	v53 =	vor.u32 v14, v53;
	_ =	sdelay $0x3  }
0x9e: {  	[tilespmem:v61+s28+$0x0] =	vst.idx.msk $0xffff, v54;
	v54 =	vbroadcast v51, $0x4  }
0x9f: {  	v52 =	vor.u32 v5, v62;
	v53 =	vld.idx.msk [tilespmem:v53+s10+$0x0], $0xffff  }
0xa0: {  	s15 =	sadd.s32 $0xFFFFFFF5, s3;
	v62 =	vor.u32 v15, v54  }
0xa1: {  	v63 =	vmov s15  }
0xa2: {  	v60 =	vshll.u32 v63, $0x3  }
0xa3: {  	v56 =	vand.u32 $0x74, v63;
	v57 =	vand.u32 $0xC00, v60  }
0xa4: {  	v61 =	vor.u32 v56, v57;
	[tilespmem:v52+s28+$0x0] =	vst.idx.msk $0xffff, v53  }
0xa5: {  	v53 =	vld.idx.msk [tilespmem:v62+s10+$0x0], $0xffff;
	v62 =	vor.u32 v1, v61  }
0xa6: {  	v63 =	vor.u32 v16, v54;
	_ =	sdelay $0x3  }
0xa7: {  	[tilespmem:v62+s28+$0x0] =	vst.idx.msk $0xffff, v53  }
0xa8: {  	v59 =	vor.u32 v3, v61;
	v53 =	vld.idx.msk [tilespmem:v63+s10+$0x0], $0xffff  }
0xa9: {  	v54 =	vor.u32 v17, v54;
	_ =	sdelay $0x3  }
0xaa: {  	[tilespmem:v59+s28+$0x0] =	vst.idx.msk $0xffff, v53;
	v53 =	vbroadcast v51, $0x5  }
0xab: {  	v52 =	vor.u32 v5, v61;
	v54 =	vld.idx.msk [tilespmem:v54+s10+$0x0], $0xffff  }
0xac: {  	s16 =	sadd.s32 $0xFFFFFFF6, s3;
	v60 =	vor.u32 v18, v53  }
0xad: {  	v61 =	vmov s16  }
0xae: {  	v62 =	vshll.u32 v61, $0x3  }
0xaf: {  	v56 =	vand.u32 $0x75, v61;
	v57 =	vand.u32 $0xC00, v62  }
0xb0: {  	v63 =	vor.u32 v56, v57;
	[tilespmem:v52+s28+$0x0] =	vst.idx.msk $0xffff, v54  }
0xb1: {  	v54 =	vld.idx.msk [tilespmem:v60+s10+$0x0], $0xffff;
	v60 =	vor.u32 v1, v63  }
0xb2: {  	v61 =	vor.u32 v19, v53;
	_ =	sdelay $0x3  }
0xb3: {  	[tilespmem:v60+s28+$0x0] =	vst.idx.msk $0xffff, v54  }
0xb4: {  	v62 =	vor.u32 v3, v63;
	v54 =	vld.idx.msk [tilespmem:v61+s10+$0x0], $0xffff  }
0xb5: {  	v53 =	vor.u32 v20, v53;
	_ =	sdelay $0x3  }
0xb6: {  	[tilespmem:v62+s28+$0x0] =	vst.idx.msk $0xffff, v54;
	v54 =	vbroadcast v51, $0x6  }
0xb7: {  	v52 =	vor.u32 v5, v63;
	v53 =	vld.idx.msk [tilespmem:v53+s10+$0x0], $0xffff  }
0xb8: {  	s13 =	sadd.s32 $0xFFFFFFF7, s3;
	v63 =	vor.u32 v21, v54  }
0xb9: {  	v60 =	vmov s13  }
0xba: {  	v61 =	vshll.u32 v60, $0x3  }
0xbb: {  	v56 =	vand.u32 $0x76, v60;
	v57 =	vand.u32 $0xC00, v61  }
0xbc: {  	v62 =	vor.u32 v56, v57;
	[tilespmem:v52+s28+$0x0] =	vst.idx.msk $0xffff, v53  }
0xbd: {  	v53 =	vld.idx.msk [tilespmem:v63+s10+$0x0], $0xffff;
	v63 =	vor.u32 v1, v62  }
0xbe: {  	v60 =	vor.u32 v22, v54;
	_ =	sdelay $0x3  }
0xbf: {  	[tilespmem:v63+s28+$0x0] =	vst.idx.msk $0xffff, v53  }
0xc0: {  	v61 =	vor.u32 v3, v62;
	v53 =	vld.idx.msk [tilespmem:v60+s10+$0x0], $0xffff  }
0xc1: {  	v54 =	vor.u32 v23, v54;
	_ =	sdelay $0x3  }
0xc2: {  	[tilespmem:v61+s28+$0x0] =	vst.idx.msk $0xffff, v53;
	v53 =	vbroadcast v51, $0x7  }
0xc3: {  	v52 =	vor.u32 v5, v62;
	v54 =	vld.idx.msk [tilespmem:v54+s10+$0x0], $0xffff  }
0xc4: {  	s14 =	sadd.s32 $0xFFFFFFF8, s3;
	v62 =	vor.u32 v24, v53  }
0xc5: {  	v63 =	vmov s14  }
0xc6: {  	v60 =	vshll.u32 v63, $0x3  }
0xc7: {  	v56 =	vand.u32 $0x77, v63;
	v57 =	vand.u32 $0xC00, v60  }
0xc8: {  	v61 =	vor.u32 v56, v57;
	[tilespmem:v52+s28+$0x0] =	vst.idx.msk $0xffff, v54  }
0xc9: {  	v54 =	vld.idx.msk [tilespmem:v62+s10+$0x0], $0xffff;
	v62 =	vor.u32 v1, v61  }
0xca: {  	v63 =	vor.u32 v25, v53;
	_ =	sdelay $0x3  }
0xcb: {  	[tilespmem:v62+s28+$0x0] =	vst.idx.msk $0xffff, v54  }
0xcc: {  	v59 =	vor.u32 v3, v61;
	v54 =	vld.idx.msk [tilespmem:v63+s10+$0x0], $0xffff  }
0xcd: {  	v53 =	vor.u32 v26, v53;
	_ =	sdelay $0x3  }
0xce: {  	[tilespmem:v59+s28+$0x0] =	vst.idx.msk $0xffff, v54  }
0xcf: {  	v52 =	vor.u32 v5, v61;
	v53 =	vld.idx.msk [tilespmem:v53+s10+$0x0], $0xffff;
	_ =	sdelay $0x4  }
0xd0: {  	p0 =	seq.s32 s3, $0x1FF;
	[tilespmem:v52+s28+$0x0] =	vst.idx.msk $0xffff, v53  }
0xd1: {  	v52 =	vld @!p0 [tilespmem:s11+$0x0];
	_ =	sdelay $0x4  }
0xd2: {  	(v2sf) =	vpush @!p0 v52, $0x0;
	_ =	sdelay $0x3  }
0xd3: {  	(v2sf) =	vpush @!p0 v52, $0x1;
	_ =	sdelay $0x3  }
0xd4: {  	(v2sf) =	vpush @!p0 v52, $0x2;
	_ =	sdelay $0x1  }
0xd5: {  	(v2sf) =	vpush @!p0 v52, $0x3;
	_ =	sdelay $0x2  }
0xd6: {  	(v2sf) =	vpush @!p0 v52, $0x4;
	_ =	sdelay $0x1  }
0xd7: {  	s12 =	spop @!p0 (v2sf)  }
0xd8: {  	s15 =	simm.s32 @!p0 $0x200;
	s12 =	sand.u32 @!p0 $0xFFFFF80, s12  }
0xd9: {  	s13 =	simm.s32 @!p0 $0x400;
	s14 =	simm.s32 @!p0 $0x7A1400;
	s12 =	sadd.s32 @!p0 s0, s12  }
0xda: {  	(v2sf) =	vpush @!p0 v52, $0x5;
	[tilespmem:s15], [sflag:$0x1] =	stream.strided.gather @!p0 [hbm4b:s12+s13], $0x1800, s14, s13, $0x38;
	[tilespmem:$0x1E200] =	vst v63  }
0xdb: {  	s12 =	spop @!p0 (v2sf)  }
0xdc: {  	(v2sf) =	vpush @!p0 v52, $0x6;
	s12 =	sand.u32 @!p0 $0xFFFFF80, s12  }
0xdd: {  	s15 =	simm.s32 @!p0 $0x1A00;
	s12 =	sadd.s32 @!p0 s0, s12  }
0xde: {  	[tilespmem:s15], [sflag:$0x1] =	stream.strided.gather @!p0 [hbm4b:s12+s13], $0x1800, s14, s13, $0x38;
	[tilespmem:$0x1E200] =	vst v63  }
0xdf: {  	s12 =	spop @!p0 (v2sf)  }
0xe0: {  	s12 =	sand.u32 @!p0 $0xFFFFF80, s12  }
0xe1: {  	s16 =	simm.s32 @!p0 $0x3200;
	(v2sf) =	vpush @!p0 v52, $0x7;
	s15 =	spop @!p0 (v2sf);
	s12 =	sadd.s32 @!p0 s0, s12  }
0xe2: {  	[tilespmem:s16], [sflag:$0x1] =	stream.strided.gather @!p0 [hbm4b:s12+s13], $0x1800, s14, s13, $0x38;
	[tilespmem:$0x1E200] =	vst v63  }
0xe3: {  	s12 =	sand.u32 @!p0 $0xFFFFF80, s15  }
0xe4: {  	s15 =	spop @!p0 (v2sf);
	s16 =	simm.s32 @!p0 $0x4A00;
	s12 =	sadd.s32 @!p0 s0, s12  }
0xe5: {  	[tilespmem:s16], [sflag:$0x1] =	stream.strided.gather @!p0 [hbm4b:s12+s13], $0x1800, s14, s13, $0x38;
	[tilespmem:$0x1E200] =	vst v63  }
0xe6: {  	s12 =	sand.u32 @!p0 $0xFFFFF80, s15  }
0xe7: {  	s16 =	simm.s32 @!p0 $0x6200;
	s12 =	sadd.s32 @!p0 s0, s12  }
0xe8: {  	[tilespmem:s16], [sflag:$0x1] =	stream.strided.gather @!p0 [hbm4b:s12+s13], $0x1800, s14, s13, $0x38;
	[tilespmem:$0x1E200] =	vst v63  }
0xe9: {  	s15 =	spop @!p0 (v2sf)  }
0xea: {  	s12 =	sand.u32 @!p0 $0xFFFFF80, s15  }
0xeb: {  	s16 =	simm.s32 @!p0 $0x7A00;
	s12 =	sadd.s32 @!p0 s0, s12;
	s15 =	spop @!p0 (v2sf)  }
0xec: {  	[tilespmem:s16], [sflag:$0x1] =	stream.strided.gather @!p0 [hbm4b:s12+s13], $0x1800, s14, s13, $0x38;
	[tilespmem:$0x1E200] =	vst v63  }
0xed: {  	s12 =	sand.u32 @!p0 $0xFFFFF80, s15  }
0xee: {  	s15 =	simm.s32 @!p0 $0x9200;
	s12 =	sadd.s32 @!p0 s0, s12  }
0xef: {  	[tilespmem:s15], [sflag:$0x1] =	stream.strided.gather @!p0 [hbm4b:s12+s13], $0x1800, s14, s13, $0x38;
	[tilespmem:$0x1E200] =	vst v63  }
0xf0: {  	v52 =	vbroadcast v51, $0x8;
	s12 =	spop @!p0 (v2sf)  }
0xf1: {  	s12 =	sand.u32 @!p0 $0xFFFFF80, s12  }
0xf2: {  	v60 =	vor.u32 v27, v52;
	s16 =	sadd.s32 $0xFFFFFFF9, s3;
	s15 =	simm.s32 @!p0 $0xAA00;
	s12 =	sadd.s32 @!p0 s0, s12  }
0xf3: {  	v61 =	vmov s16;
	[tilespmem:s15], [sflag:$0x1] =	stream.strided.gather @!p0 [hbm4b:s12+s13], $0x1800, s14, s13, $0x38;
	[tilespmem:$0x1E200] =	vst v63  }
0xf4: {  	v62 =	vshll.u32 v61, $0x3;
	_ =	swait.ge [sflag:s29], $0xC000  }
0xf5: {  	v54 =	vand.u32 $0x78, v61;
	v55 =	vand.u32 $0xC00, v62;
	[sflag:s29] =	ssyncset.done $0x0  }
0xf6: {  	v54 =	vor.u32 v54, v55;
	[sflag:s29] =	ssyncadd.s32 $0xFFFF4000  }
0xf7: {  	v55 =	vor.u32 v1, v54;
	v53 =	vld.idx.msk [tilespmem:v60+s10+$0x0], $0xffff  }
0xf8: {  	v63 =	vor.u32 v28, v52;
	_ =	sdelay $0x3  }
0xf9: {  	[tilespmem:v55+s28+$0x0] =	vst.idx.msk $0xffff, v53  }
0xfa: {  	v59 =	vor.u32 v3, v54;
	v53 =	vld.idx.msk [tilespmem:v63+s10+$0x0], $0xffff  }
0xfb: {  	v52 =	vor.u32 v29, v52;
	_ =	sdelay $0x3  }
0xfc: {  	[tilespmem:v59+s28+$0x0] =	vst.idx.msk $0xffff, v53;
	v53 =	vbroadcast v51, $0x9  }
0xfd: {  	v54 =	vor.u32 v5, v54;
	v52 =	vld.idx.msk [tilespmem:v52+s10+$0x0], $0xffff  }
0xfe: {  	s15 =	sadd.s32 $0xFFFFFFFA, s3;
	v60 =	vor.u32 v30, v53  }
0xff: {  	v61 =	vmov s15  }
0x100: {  	v62 =	vshll.u32 v61, $0x3  }
0x101: {  	v56 =	vand.u32 $0x79, v61;
	v57 =	vand.u32 $0xC00, v62  }
0x102: {  	v63 =	vor.u32 v56, v57;
	[tilespmem:v54+s28+$0x0] =	vst.idx.msk $0xffff, v52  }
0x103: {  	v54 =	vld.idx.msk [tilespmem:v60+s10+$0x0], $0xffff;
	v60 =	vor.u32 v1, v63  }
0x104: {  	v61 =	vor.u32 v31, v53;
	_ =	sdelay $0x3  }
0x105: {  	[tilespmem:v60+s28+$0x0] =	vst.idx.msk $0xffff, v54  }
0x106: {  	v62 =	vor.u32 v3, v63;
	v54 =	vld.idx.msk [tilespmem:v61+s10+$0x0], $0xffff  }
0x107: {  	v53 =	vor.u32 v32, v53;
	_ =	sdelay $0x3  }
0x108: {  	[tilespmem:v62+s28+$0x0] =	vst.idx.msk $0xffff, v54;
	v54 =	vbroadcast v51, $0xA  }
0x109: {  	v52 =	vor.u32 v5, v63;
	v53 =	vld.idx.msk [tilespmem:v53+s10+$0x0], $0xffff  }
0x10a: {  	s16 =	sadd.s32 $0xFFFFFFFB, s3;
	v63 =	vor.u32 v33, v54  }
0x10b: {  	v60 =	vmov s16  }
0x10c: {  	v61 =	vshll.u32 v60, $0x3  }
0x10d: {  	v56 =	vand.u32 $0x7A, v60;
	v57 =	vand.u32 $0xC00, v61  }
0x10e: {  	v62 =	vor.u32 v56, v57;
	[tilespmem:v52+s28+$0x0] =	vst.idx.msk $0xffff, v53  }
0x10f: {  	v53 =	vld.idx.msk [tilespmem:v63+s10+$0x0], $0xffff;
	v63 =	vor.u32 v1, v62  }
0x110: {  	v60 =	vor.u32 v34, v54;
	_ =	sdelay $0x3  }
0x111: {  	[tilespmem:v63+s28+$0x0] =	vst.idx.msk $0xffff, v53  }
0x112: {  	v61 =	vor.u32 v3, v62;
	v53 =	vld.idx.msk [tilespmem:v60+s10+$0x0], $0xffff  }
0x113: {  	v54 =	vor.u32 v35, v54;
	_ =	sdelay $0x3  }
0x114: {  	[tilespmem:v61+s28+$0x0] =	vst.idx.msk $0xffff, v53;
	v53 =	vbroadcast v51, $0xB  }
0x115: {  	v52 =	vor.u32 v5, v62;
	v54 =	vld.idx.msk [tilespmem:v54+s10+$0x0], $0xffff  }
0x116: {  	s13 =	sadd.s32 $0xFFFFFFFC, s3;
	v62 =	vor.u32 v36, v53  }
0x117: {  	v63 =	vmov s13  }
0x118: {  	v60 =	vshll.u32 v63, $0x3  }
0x119: {  	v56 =	vand.u32 $0x7B, v63;
	v57 =	vand.u32 $0xC00, v60  }
0x11a: {  	v61 =	vor.u32 v56, v57;
	[tilespmem:v52+s28+$0x0] =	vst.idx.msk $0xffff, v54  }
0x11b: {  	v54 =	vld.idx.msk [tilespmem:v62+s10+$0x0], $0xffff;
	v62 =	vor.u32 v1, v61  }
0x11c: {  	v63 =	vor.u32 v37, v53;
	_ =	sdelay $0x3  }
0x11d: {  	[tilespmem:v62+s28+$0x0] =	vst.idx.msk $0xffff, v54  }
0x11e: {  	v59 =	vor.u32 v3, v61;
	v54 =	vld.idx.msk [tilespmem:v63+s10+$0x0], $0xffff  }
0x11f: {  	v53 =	vor.u32 v38, v53;
	_ =	sdelay $0x3  }
0x120: {  	[tilespmem:v59+s28+$0x0] =	vst.idx.msk $0xffff, v54;
	v54 =	vbroadcast v51, $0xC  }
0x121: {  	v52 =	vor.u32 v5, v61;
	v53 =	vld.idx.msk [tilespmem:v53+s10+$0x0], $0xffff  }
0x122: {  	s14 =	sadd.s32 $0xFFFFFFFD, s3;
	v60 =	vor.u32 v39, v54  }
0x123: {  	v61 =	vmov s14  }
0x124: {  	v62 =	vshll.u32 v61, $0x3  }
0x125: {  	v56 =	vand.u32 $0x7C, v61;
	v57 =	vand.u32 $0xC00, v62  }
0x126: {  	v63 =	vor.u32 v56, v57;
	[tilespmem:v52+s28+$0x0] =	vst.idx.msk $0xffff, v53  }
0x127: {  	v53 =	vld.idx.msk [tilespmem:v60+s10+$0x0], $0xffff;
	v60 =	vor.u32 v1, v63  }
0x128: {  	v61 =	vor.u32 v40, v54;
	_ =	sdelay $0x3  }
0x129: {  	[tilespmem:v60+s28+$0x0] =	vst.idx.msk $0xffff, v53  }
0x12a: {  	v62 =	vor.u32 v3, v63;
	v53 =	vld.idx.msk [tilespmem:v61+s10+$0x0], $0xffff  }
0x12b: {  	v54 =	vor.u32 v41, v54;
	_ =	sdelay $0x3  }
0x12c: {  	[tilespmem:v62+s28+$0x0] =	vst.idx.msk $0xffff, v53;
	v53 =	vbroadcast v51, $0xD  }
0x12d: {  	v52 =	vor.u32 v5, v63;
	v54 =	vld.idx.msk [tilespmem:v54+s10+$0x0], $0xffff  }
0x12e: {  	s15 =	sadd.s32 $0xFFFFFFFE, s3;
	v63 =	vor.u32 v42, v53  }
0x12f: {  	v60 =	vmov s15  }
0x130: {  	v61 =	vshll.u32 v60, $0x3  }
0x131: {  	v56 =	vand.u32 $0x7D, v60;
	v57 =	vand.u32 $0xC00, v61  }
0x132: {  	v62 =	vor.u32 v56, v57;
	[tilespmem:v52+s28+$0x0] =	vst.idx.msk $0xffff, v54  }
0x133: {  	v54 =	vld.idx.msk [tilespmem:v63+s10+$0x0], $0xffff;
	v63 =	vor.u32 v1, v62  }
0x134: {  	v60 =	vor.u32 v43, v53;
	_ =	sdelay $0x3  }
0x135: {  	[tilespmem:v63+s28+$0x0] =	vst.idx.msk $0xffff, v54  }
0x136: {  	v61 =	vor.u32 v3, v62;
	v54 =	vld.idx.msk [tilespmem:v60+s10+$0x0], $0xffff  }
0x137: {  	v53 =	vor.u32 v44, v53;
	_ =	sdelay $0x3  }
0x138: {  	[tilespmem:v61+s28+$0x0] =	vst.idx.msk $0xffff, v54;
	v54 =	vbroadcast v51, $0xE  }
0x139: {  	v52 =	vor.u32 v5, v62;
	v53 =	vld.idx.msk [tilespmem:v53+s10+$0x0], $0xffff  }
0x13a: {  	s16 =	sadd.s32 $0xFFFFFFFF, s3;
	v62 =	vor.u32 v45, v54  }
0x13b: {  	v63 =	vmov s16  }
0x13c: {  	v60 =	vshll.u32 v63, $0x3  }
0x13d: {  	v56 =	vand.u32 $0x7E, v63;
	v57 =	vand.u32 $0xC00, v60  }
0x13e: {  	v61 =	vor.u32 v56, v57;
	[tilespmem:v52+s28+$0x0] =	vst.idx.msk $0xffff, v53  }
0x13f: {  	v53 =	vld.idx.msk [tilespmem:v62+s10+$0x0], $0xffff;
	v62 =	vor.u32 v1, v61  }
0x140: {  	v63 =	vor.u32 v46, v54;
	_ =	sdelay $0x3  }
0x141: {  	[tilespmem:v62+s28+$0x0] =	vst.idx.msk $0xffff, v53  }
0x142: {  	v60 =	vor.u32 v3, v61;
	v53 =	vld.idx.msk [tilespmem:v63+s10+$0x0], $0xffff  }
0x143: {  	v54 =	vor.u32 v47, v54;
	_ =	sdelay $0x3  }
0x144: {  	v51 =	vbroadcast v51, $0xF;
	[tilespmem:v60+s28+$0x0] =	vst.idx.msk $0xffff, v53  }
0x145: {  	v52 =	vor.u32 v5, v61;
	v53 =	vld.idx.msk [tilespmem:v54+s10+$0x0], $0xffff  }
0x146: {  	v61 =	vor.u32 v48, v51  }
0x147: {  	v62 =	vmov s3  }
0x148: {  	v63 =	vshll.u32 v62, $0x3  }
0x149: {  	v55 =	vand.u32 $0x7F, v62;
	v56 =	vand.u32 $0xC00, v63  }
0x14a: {  	v60 =	vor.u32 v55, v56;
	[tilespmem:v52+s28+$0x0] =	vst.idx.msk $0xffff, v53  }
0x14b: {  	v53 =	vld.idx.msk [tilespmem:v61+s10+$0x0], $0xffff;
	v61 =	vor.u32 v1, v60  }
0x14c: {  	v62 =	vor.u32 v49, v51;
	_ =	sdelay $0x3  }
0x14d: {  	[tilespmem:v61+s28+$0x0] =	vst.idx.msk $0xffff, v53  }
0x14e: {  	v63 =	vor.u32 v3, v60;
	v53 =	vld.idx.msk [tilespmem:v62+s10+$0x0], $0xffff  }
0x14f: {  	v51 =	vor.u32 v50, v51;
	_ =	sdelay $0x3  }
0x150: {  	[tilespmem:v63+s28+$0x0] =	vst.idx.msk $0xffff, v53  }
0x151: {  	v52 =	vor.u32 v5, v60;
	v51 =	vld.idx.msk [tilespmem:v51+s10+$0x0], $0xffff  }
.Ltmp2:
0x152: {  	_ = 	snop;
	(pc) =	sbr.rel @p0 .LBB2_4-.Ltmp2, $2  }
0x153: {  	_ =	sdelay $0x2  }
0x154: {  	[tilespmem:v52+s28+$0x0] =	vst.idx.msk $0xffff, v51  }
0x155: {  	v51 =	vld [tilespmem:s11+$0x0];
	_ =	sdelay $0x4  }
0x156: {  	(v2sf) =	vpush v51, $0x8;
	_ =	sdelay $0x1  }
0x157: {  	(v2sf) =	vpush v51, $0x9;
	_ =	sdelay $0x1  }
0x158: {  	(v2sf) =	vpush v51, $0xA;
	_ =	sdelay $0x2  }
0x159: {  	(v2sf) =	vpush v51, $0xB;
	_ =	sdelay $0x7  }
0x15a: {  	s12 =	spop (v2sf);
	(v2sf) =	vpush v51, $0xC;
	_ =	sdelay $0x1  }
0x15b: {  	s14 =	spop (v2sf);
	(v2sf) =	vpush v51, $0xD  }
0x15c: {  	s12 =	sand.u32 $0xFFFFF80, s12  }
0x15d: {  	s12 =	sadd.s32 s0, s12;
	s15 =	spop (v2sf)  }
0x15e: {  	(v2sf) =	vpush v51, $0xE;
	[tilespmem:s18], [sflag:$0x2] =	stream.strided.gather [hbm4b:s12+s9], $0x1800, s8, s9, $0x38;
	[tilespmem:$0x1E200] =	vst v63  }
0x15f: {  	s12 =	sand.u32 $0xFFFFF80, s14  }
0x160: {  	s16 =	spop (v2sf);
	s12 =	sadd.s32 s0, s12  }
0x161: {  	(v2sf) =	vpush v51, $0xF;
	[tilespmem:s19], [sflag:$0x2] =	stream.strided.gather [hbm4b:s12+s9], $0x1800, s8, s9, $0x38;
	[tilespmem:$0x1E200] =	vst v63  }
0x162: {  	s12 =	sand.u32 $0xFFFFF80, s15  }
0x163: {  	s12 =	sadd.s32 s0, s12  }
0x164: {  	[tilespmem:s20], [sflag:$0x2] =	stream.strided.gather [hbm4b:s12+s9], $0x1800, s8, s9, $0x38;
	[tilespmem:$0x1E200] =	vst v63  }
0x165: {  	s12 =	sand.u32 $0xFFFFF80, s16  }
0x166: {  	s12 =	sadd.s32 s0, s12  }
0x167: {  	[tilespmem:s21], [sflag:$0x2] =	stream.strided.gather [hbm4b:s12+s9], $0x1800, s8, s9, $0x38;
	[tilespmem:$0x1E200] =	vst v63  }
0x168: {  	s13 =	spop (v2sf)  }
0x169: {  	s12 =	sand.u32 $0xFFFFF80, s13  }
0x16a: {  	s14 =	spop (v2sf);
	s12 =	sadd.s32 s0, s12  }
0x16b: {  	[tilespmem:s22], [sflag:$0x2] =	stream.strided.gather [hbm4b:s12+s9], $0x1800, s8, s9, $0x38;
	[tilespmem:$0x1E200] =	vst v63  }
0x16c: {  	s12 =	sand.u32 $0xFFFFF80, s14  }
0x16d: {  	s15 =	spop (v2sf);
	s12 =	sadd.s32 s0, s12  }
0x16e: {  	[tilespmem:s23], [sflag:$0x2] =	stream.strided.gather [hbm4b:s12+s9], $0x1800, s8, s9, $0x38;
	[tilespmem:$0x1E200] =	vst v63  }
0x16f: {  	s12 =	sand.u32 $0xFFFFF80, s15  }
.Ltmp3:
0x170: {  	s16 =	spop (v2sf);
	s12 =	sadd.s32 s0, s12;
	(pc) =	sbr.rel .LBB2_2-.Ltmp3, $4  }
0x171: {  	[tilespmem:s24], [sflag:$0x2] =	stream.strided.gather [hbm4b:s12+s9], $0x1800, s8, s9, $0x38;
	[tilespmem:$0x1E200] =	vst v63  }
0x172: {  	s12 =	sand.u32 $0xFFFFF80, s16  }
0x173: {  	s3 =	sadd.s32 $0x10, s3;
	s11 =	sadd.s32 $0x10, s11;
	s12 =	sadd.s32 s0, s12  }
0x174: {  	[tilespmem:s25], [sflag:$0x2] =	stream.strided.gather [hbm4b:s12+s9], $0x1800, s8, s9, $0x38;
	[tilespmem:$0x1E200] =	vst v63  }
.LBB2_5:
0x175: {  	_ =	sfence.sel $0x180000  }
0x176: {  	[bflag:$0x0] =	sbarrier.arrive $0xFFFF  }
0x177: {  	_ =	strace $0x90000047  }
0x178: {  	s0 =	stileid.u32;
	[bflag:$0x2] =	sbarrier.arrive $0xFFFF  }
0x179: {  	p0 =	sne.s32 s0, $0x0;
	s0 =	rddreg [dreg:$0x3]  }
0x17a: {  	s0 =	sadd.s32 @!p0 $0x100000, s0  }
0x17b: {  	[sflag:s0] =	ssyncadd.tile.s32 @!p0 $0x1;
	_ =	shalt  }
.Lfunc_end2:
_tile_overlayer_lowered:
.L_overlay_start_2:
0x17c: {  	(tag) =	ssettag $0x2  }
0x17d: {  	s0 =	rddreg [dreg:$0x0];
	s2 =	stileid.u32  }
0x17e: {  	s1 =	rddreg [dreg:$0x1];
	p0 =	sne.s32 s2, $0x0  }
0x17f: {  	s3 =	rddreg [dreg:$0x2];
	[bflag:$0x3] =	sbarrier.arrive $0xFFFF;
	s2 =	simm.s32 @!p0 $0x1C04  }
0x180: {  	[timem:s3], [sflag:s2] =	dma.local @!p0 [hbm:s0], s1  }
0x181: {  	s0 =	simm.s32 @!p0 $0x4  }
0x182: {  	_ =	swait.ge @!p0 [sflag:s0], s1  }
0x183: {  	s1 =	ssub.s32 @!p0 $0x0, s1;
	[sflag:s0] =	ssyncset.done @!p0 $0x0  }
0x184: {  	[sflag:s0] =	ssyncadd.s32 @!p0 s1  }
0x185: {  	[bflag:$0x3] =	sbarrier.arrive $0xFFFF  }
0x186: {  	_ =	shalt  }

</sc_bundles>
